<compile_context>
chip_gen: v7x
topology: tpu7x:2x2x1
jax: 0.10.2.dev20260603
libtpu: 0.0.44.dev20260713+nightly
codegen_flags: <defaults>
</compile_context>

<pallas_src>
import functools

import jax
import jax.numpy as jnp
from jax import lax
from jax.experimental import pallas as pl
from jax.experimental.pallas import tpu as pltpu
from jax.experimental.pallas import tpu_sc as plsc

CH = 128
NBUF = 8
LOOKAHEAD = 4
BV = 7936


def _pair_split(v, bv):
    return (v // (2 * bv)) * bv


@functools.lru_cache(maxsize=None)
def _make_repack(v, d, bv=BV):
    a = _pair_split(v, bv)
    grid = a // bv + 1
    tail = v - 2 * a
    th = tail // 2

    @functools.partial(
        pl.pallas_call,
        grid=(grid,),
        in_specs=[
            pl.BlockSpec((d, bv), lambda i: (0, i)),
            pl.BlockSpec((d, bv), lambda i: (0, i + (grid - 1))),
        ],
        out_specs=pl.BlockSpec((bv, 2 * d), lambda i: (i, 0)),
        out_shape=jax.ShapeDtypeStruct((a + th, 2 * d), jnp.float32),
    )
    def repack(lo_ref, hi_ref, o_ref):
        i = pl.program_id(0)

        @pl.when(i < grid - 1)
        def _():
            o_ref[:, :d] = lo_ref[...].T
            o_ref[:, d:] = hi_ref[...].T

        @pl.when(i == grid - 1)
        def _():
            o_ref[:th, :d] = hi_ref[:, :th].T
            o_ref[:th, d:] = hi_ref[:, th : 2 * th].T

    return repack


def _pair_index(x, v, bv=BV):
    a = _pair_split(v, bv)
    th = (v - 2 * a) // 2
    main = jnp.where(x < a, 2 * x, 2 * (x - a) + 1)
    u = x - 2 * a
    tail = 2 * a + jnp.where(u < th, 2 * u, 2 * (u - th) + 1)
    return jnp.where(x < 2 * a, main, tail)


@functools.lru_cache(maxsize=None)
def _make_lookup(nw, nchunk, d):
    mesh = plsc.VectorSubcoreMesh(core_axis_name="c", subcore_axis_name="s")
    nc = plsc.get_sparse_core_info().num_cores
    tot = nw * nchunk * CH

    @functools.partial(
        pl.kernel,
        mesh=mesh,
        out_type=jax.ShapeDtypeStruct((tot, 2 * d), jnp.float32),
        scratch_types=[
            pltpu.VMEM((nchunk, CH), jnp.int32),
            pltpu.VMEM((NBUF, CH, d), jnp.float32),
            pltpu.SemaphoreType.DMA((NBUF,)),
            pltpu.SemaphoreType.DMA((NBUF,)),
        ],
        compiler_params=pltpu.CompilerParams(use_tc_tiling_on_sc=False),
    )
    def lookup(idx_hbm, table_hbm, out_hbm, idx_v, rows_v, gsem, osem):
        wid = lax.axis_index("s") * nc + lax.axis_index("c")
        pltpu.sync_copy(idx_hbm.at[wid], idx_v)
        base = wid * (nchunk * CH)

        def gather(j, b):
            pltpu.async_copy(table_hbm.at[idx_v.at[j]], rows_v.at[b], gsem.at[b])

        def wait_gather(j, b):
            pltpu.make_async_copy(
                table_hbm.at[idx_v.at[j]], rows_v.at[b], gsem.at[b]
            ).wait()

        def copy_out(j, b):
            pltpu.async_copy(
                rows_v.at[b],
                out_hbm.at[pl.ds(base + j * CH, CH), pl.ds(0, d)],
                osem.at[b],
            )

        def wait_out(j, b):
            pltpu.make_async_copy(
                rows_v.at[b],
                out_hbm.at[pl.ds(base + j * CH, CH), pl.ds(0, d)],
                osem.at[b],
            ).wait()

        for j in range(LOOKAHEAD):
            gather(j, j % NBUF)

        def group(g, carry):
            for b in range(NBUF):
                j = g * NBUF + b
                bn = (b + LOOKAHEAD) % NBUF
                jn = j + LOOKAHEAD
                wait_gather(j, b)
                copy_out(j, b)

                @pl.when(jnp.logical_and(jn >= NBUF, jn < nchunk))
                def _():
                    wait_out(jn - NBUF, bn)

                @pl.when(jn < nchunk)
                def _():
                    gather(jn, bn)

            return carry

        lax.fori_loop(0, nchunk // NBUF, group, 0)

        for b in range(NBUF):
            j = nchunk - NBUF + b
            wait_out(j, j % NBUF)

    return lookup


def kernel(x, table):
    b, s = x.shape
    v, d = table.shape
    tot = b * s
    nw = 32
    nchunk = tot // (nw * CH)
    tt = table.T
    tp = _make_repack(v, d)(tt, tt)
    tp = tp.reshape(2 * tp.shape[0], d)
    xr = _pair_index(x.reshape(nw, nchunk, CH).astype(jnp.int32), v)
    out = _make_lookup(nw, nchunk, d)(xr, tp)
    return out[:, :d].reshape(b, s, d)

# --- scband reference (transcript-rebuilt; emitter-appended) ---
"""Pipeline reference for scband-token-embedding-18038862643591 (READ-ONLY COPY).

The authoritative reference and input builder live on the scoring server;
editing this copy changes nothing except your own understanding.
"""

import jax, jax.numpy as jnp
import numpy as np

VOCAB = 1000000
EMBED = 64
BATCH = 4096
SEQ = 200

def setup_inputs(seed: int = 0) -> dict:
    key = jax.random.key(seed)
    k1, k2 = jax.random.split(key)
    x = jax.random.randint(k1, (BATCH, SEQ), 0, VOCAB, dtype=jnp.int64 if jax.config.jax_enable_x64 else jnp.int32)
    # nn.Embedding default init: N(0, 1)
    table = jax.random.normal(k2, (VOCAB, EMBED), dtype=jnp.float32)
    return {"x": x, "table": table}

def reference(x, table):
    # embedding lookup: gather rows of table by token index
    return jnp.take(table, x, axis=0)

if __name__ == "__main__":
    import jax
    _d = setup_inputs()
    print(jax.jit(kernel)(*tuple(_d.values())))

</pallas_src>

<mosaic_0001>
#map = affine_map<(d0, d1) -> (0, 0, 0)>
#map1 = affine_map<(d0, d1) -> (0, 0)>
module attributes {stable_mosaic.version = 14 : i64} {
  func.func @lookup(%arg0: i32, %arg1: i32, %arg2: memref<32x200x128xi32, #tpu.memory_space<hbm>>, %arg3: memref<1000000x64xf32, #tpu.memory_space<hbm>>, %arg4: memref<819200x128xf32, #tpu.memory_space<hbm>>, %arg5: memref<200x128xi32, #tpu.memory_space<vmem>>, %arg6: memref<8x128x64xf32, #tpu.memory_space<vmem>>, %arg7: memref<8x!tpu.dma_semaphore, #tpu.memory_space<semaphore_mem>>, %arg8: memref<8x!tpu.dma_semaphore, #tpu.memory_space<semaphore_mem>>) attributes {dimension_semantics = [#tpu.dimension_semantics<core_parallel>, #tpu.dimension_semantics<subcore_parallel>], iteration_bounds = array<i64: 2, 16>, scalar_prefetch = 0 : i64, scratch_operands = 4 : i64, tpu.core_type = #tpu.core_type<sc_vector_subcore>, window_params = [{transform_indices = #map}, {transform_indices = #map1}, {transform_indices = #map1}]} {
    %mul3A = arith.constant 2 : i32
    %mul3A_0 = arith.muli %arg1, %mul3A : i32
    %add3A = arith.addi %mul3A_0, %arg0 : i32
    "tpu.region"() ({
      %run_scoped3A = tpu.sem_alloc : memref<!tpu.dma_semaphore, #tpu.memory_space<semaphore_mem>>
      %dma_start3A_210 = arith.constant 0 : i32
      %dma_start3A_211 = arith.constant 0 : i32
      %dma_start3A_212 = tpu.memref_slice %arg2[%add3A, %dma_start3A_210, %dma_start3A_211] : memref<32x200x128xi32, #tpu.memory_space<hbm>> -> memref<1x200x128xi32, #tpu.memory_space<hbm>>
      %dma_start3A_213 = tpu.memref_squeeze %dma_start3A_212 : memref<1x200x128xi32, #tpu.memory_space<hbm>> -> memref<200x128xi32, #tpu.memory_space<hbm>>
      %dma_start3A_214 = arith.constant 0 : i32
      %dma_start3A_215 = arith.constant 0 : i32
      %dma_start3A_216 = tpu.memref_slice %arg2[%add3A, %dma_start3A_214, %dma_start3A_215] : memref<32x200x128xi32, #tpu.memory_space<hbm>> -> memref<1x200x128xi32, #tpu.memory_space<hbm>>
      %dma_start3A_217 = tpu.memref_squeeze %dma_start3A_216 : memref<1x200x128xi32, #tpu.memory_space<hbm>> -> memref<200x128xi32, #tpu.memory_space<hbm>>
      tpu.enqueue_dma source(%dma_start3A_217 : memref<200x128xi32, #tpu.memory_space<hbm>>) target(%arg5 : memref<200x128xi32, #tpu.memory_space<vmem>>) target_semaphore(%run_scoped3A : memref<!tpu.dma_semaphore, #tpu.memory_space<semaphore_mem>>)
      %dma_wait3A_218 = arith.constant 0 : i32
      %dma_wait3A_219 = arith.constant 0 : i32
      %dma_wait3A_220 = tpu.memref_slice %arg2[%add3A, %dma_wait3A_218, %dma_wait3A_219] : memref<32x200x128xi32, #tpu.memory_space<hbm>> -> memref<1x200x128xi32, #tpu.memory_space<hbm>>
      %dma_wait3A_221 = tpu.memref_squeeze %dma_wait3A_220 : memref<1x200x128xi32, #tpu.memory_space<hbm>> -> memref<200x128xi32, #tpu.memory_space<hbm>>
      %dma_wait3A_222 = arith.constant 0 : i32
      %dma_wait3A_223 = arith.constant 0 : i32
      %dma_wait3A_224 = tpu.memref_slice %arg2[%add3A, %dma_wait3A_222, %dma_wait3A_223] : memref<32x200x128xi32, #tpu.memory_space<hbm>> -> memref<1x200x128xi32, #tpu.memory_space<hbm>>
      %dma_wait3A_225 = tpu.memref_squeeze %dma_wait3A_224 : memref<1x200x128xi32, #tpu.memory_space<hbm>> -> memref<200x128xi32, #tpu.memory_space<hbm>>
      tpu.wait_dma2 semaphore(%run_scoped3A : memref<!tpu.dma_semaphore, #tpu.memory_space<semaphore_mem>>) src(%dma_wait3A_225 : memref<200x128xi32, #tpu.memory_space<hbm>>) dst(%arg5 : memref<200x128xi32, #tpu.memory_space<vmem>>)
      tpu.yield
    }) : () -> ()
    %mul3A_1 = arith.constant 25600 : i32
    %mul3A_2 = arith.muli %add3A, %mul3A_1 : i32
    %dma_start3A = arith.constant 0 : i32
    %dma_start3A_3 = arith.constant 0 : i32
    %dma_start3A_4 = arith.constant 0 : i32
    %dma_start3A_5 = arith.constant 0 : i32
    %dma_start3A_6 = arith.constant 0 : i32
    %dma_start3A_7 = tpu.memref_slice %arg6[%dma_start3A_3, %dma_start3A_5, %dma_start3A_6] : memref<8x128x64xf32, #tpu.memory_space<vmem>> -> memref<1x128x64xf32, #tpu.memory_space<vmem>>
    %dma_start3A_8 = tpu.memref_squeeze %dma_start3A_7 : memref<1x128x64xf32, #tpu.memory_space<vmem>> -> memref<128x64xf32, #tpu.memory_space<vmem>>
    %dma_start3A_9 = arith.constant 0 : i32
    %dma_start3A_10 = tpu.memref_slice %arg5[%dma_start3A, %dma_start3A_9] : memref<200x128xi32, #tpu.memory_space<vmem>> -> memref<1x128xi32, #tpu.memory_space<vmem>>
    %dma_start3A_11 = tpu.memref_squeeze %dma_start3A_10 : memref<1x128xi32, #tpu.memory_space<vmem>> -> memref<128xi32, #tpu.memory_space<vmem>>
    %dma_start3A_12 = arith.constant 0 : i32
    %dma_start3A_13 = arith.constant 0 : i32
    %dma_start3A_14 = tpu.memref_slice %arg3[%dma_start3A_12, %dma_start3A_13] : memref<1000000x64xf32, #tpu.memory_space<hbm>> -> memref<1000000x64xf32, #tpu.memory_space<hbm>>
    %dma_start3A_15 = tpu.memref_slice %arg7[%dma_start3A_4] : memref<8x!tpu.dma_semaphore, #tpu.memory_space<semaphore_mem>> -> memref<1x!tpu.dma_semaphore, #tpu.memory_space<semaphore_mem>>
    %dma_start3A_16 = tpu.memref_squeeze %dma_start3A_15 : memref<1x!tpu.dma_semaphore, #tpu.memory_space<semaphore_mem>> -> memref<!tpu.dma_semaphore, #tpu.memory_space<semaphore_mem>>
    tpu.enqueue_indirect_dma source(%dma_start3A_14 : memref<1000000x64xf32, #tpu.memory_space<hbm>>) target(%dma_start3A_8 : memref<128x64xf32, #tpu.memory_space<vmem>>) offsets(%dma_start3A_11 : memref<128xi32, #tpu.memory_space<vmem>>) semaphore(%dma_start3A_16 : memref<!tpu.dma_semaphore, #tpu.memory_space<semaphore_mem>>)
    %dma_start3A_17 = arith.constant 1 : i32
    %dma_start3A_18 = arith.constant 1 : i32
    %dma_start3A_19 = arith.constant 1 : i32
    %dma_start3A_20 = arith.constant 0 : i32
    %dma_start3A_21 = arith.constant 0 : i32
    %dma_start3A_22 = tpu.memref_slice %arg6[%dma_start3A_18, %dma_start3A_20, %dma_start3A_21] : memref<8x128x64xf32, #tpu.memory_space<vmem>> -> memref<1x128x64xf32, #tpu.memory_space<vmem>>
    %dma_start3A_23 = tpu.memref_squeeze %dma_start3A_22 : memref<1x128x64xf32, #tpu.memory_space<vmem>> -> memref<128x64xf32, #tpu.memory_space<vmem>>
    %dma_start3A_24 = arith.constant 0 : i32
    %dma_start3A_25 = tpu.memref_slice %arg5[%dma_start3A_17, %dma_start3A_24] : memref<200x128xi32, #tpu.memory_space<vmem>> -> memref<1x128xi32, #tpu.memory_space<vmem>>
    %dma_start3A_26 = tpu.memref_squeeze %dma_start3A_25 : memref<1x128xi32, #tpu.memory_space<vmem>> -> memref<128xi32, #tpu.memory_space<vmem>>
    %dma_start3A_27 = arith.constant 0 : i32
    %dma_start3A_28 = arith.constant 0 : i32
    %dma_start3A_29 = tpu.memref_slice %arg3[%dma_start3A_27, %dma_start3A_28] : memref<1000000x64xf32, #tpu.memory_space<hbm>> -> memref<1000000x64xf32, #tpu.memory_space<hbm>>
    %dma_start3A_30 = tpu.memref_slice %arg7[%dma_start3A_19] : memref<8x!tpu.dma_semaphore, #tpu.memory_space<semaphore_mem>> -> memref<1x!tpu.dma_semaphore, #tpu.memory_space<semaphore_mem>>
    %dma_start3A_31 = tpu.memref_squeeze %dma_start3A_30 : memref<1x!tpu.dma_semaphore, #tpu.memory_space<semaphore_mem>> -> memref<!tpu.dma_semaphore, #tpu.memory_space<semaphore_mem>>
    tpu.enqueue_indirect_dma source(%dma_start3A_29 : memref<1000000x64xf32, #tpu.memory_space<hbm>>) target(%dma_start3A_23 : memref<128x64xf32, #tpu.memory_space<vmem>>) offsets(%dma_start3A_26 : memref<128xi32, #tpu.memory_space<vmem>>) semaphore(%dma_start3A_31 : memref<!tpu.dma_semaphore, #tpu.memory_space<semaphore_mem>>)
    %dma_start3A_32 = arith.constant 2 : i32
    %dma_start3A_33 = arith.constant 2 : i32
    %dma_start3A_34 = arith.constant 2 : i32
    %dma_start3A_35 = arith.constant 0 : i32
    %dma_start3A_36 = arith.constant 0 : i32
    %dma_start3A_37 = tpu.memref_slice %arg6[%dma_start3A_33, %dma_start3A_35, %dma_start3A_36] : memref<8x128x64xf32, #tpu.memory_space<vmem>> -> memref<1x128x64xf32, #tpu.memory_space<vmem>>
    %dma_start3A_38 = tpu.memref_squeeze %dma_start3A_37 : memref<1x128x64xf32, #tpu.memory_space<vmem>> -> memref<128x64xf32, #tpu.memory_space<vmem>>
    %dma_start3A_39 = arith.constant 0 : i32
    %dma_start3A_40 = tpu.memref_slice %arg5[%dma_start3A_32, %dma_start3A_39] : memref<200x128xi32, #tpu.memory_space<vmem>> -> memref<1x128xi32, #tpu.memory_space<vmem>>
    %dma_start3A_41 = tpu.memref_squeeze %dma_start3A_40 : memref<1x128xi32, #tpu.memory_space<vmem>> -> memref<128xi32, #tpu.memory_space<vmem>>
    %dma_start3A_42 = arith.constant 0 : i32
    %dma_start3A_43 = arith.constant 0 : i32
    %dma_start3A_44 = tpu.memref_slice %arg3[%dma_start3A_42, %dma_start3A_43] : memref<1000000x64xf32, #tpu.memory_space<hbm>> -> memref<1000000x64xf32, #tpu.memory_space<hbm>>
    %dma_start3A_45 = tpu.memref_slice %arg7[%dma_start3A_34] : memref<8x!tpu.dma_semaphore, #tpu.memory_space<semaphore_mem>> -> memref<1x!tpu.dma_semaphore, #tpu.memory_space<semaphore_mem>>
    %dma_start3A_46 = tpu.memref_squeeze %dma_start3A_45 : memref<1x!tpu.dma_semaphore, #tpu.memory_space<semaphore_mem>> -> memref<!tpu.dma_semaphore, #tpu.memory_space<semaphore_mem>>
    tpu.enqueue_indirect_dma source(%dma_start3A_44 : memref<1000000x64xf32, #tpu.memory_space<hbm>>) target(%dma_start3A_38 : memref<128x64xf32, #tpu.memory_space<vmem>>) offsets(%dma_start3A_41 : memref<128xi32, #tpu.memory_space<vmem>>) semaphore(%dma_start3A_46 : memref<!tpu.dma_semaphore, #tpu.memory_space<semaphore_mem>>)
    %dma_start3A_47 = arith.constant 3 : i32
    %dma_start3A_48 = arith.constant 3 : i32
    %dma_start3A_49 = arith.constant 3 : i32
    %dma_start3A_50 = arith.constant 0 : i32
    %dma_start3A_51 = arith.constant 0 : i32
    %dma_start3A_52 = tpu.memref_slice %arg6[%dma_start3A_48, %dma_start3A_50, %dma_start3A_51] : memref<8x128x64xf32, #tpu.memory_space<vmem>> -> memref<1x128x64xf32, #tpu.memory_space<vmem>>
    %dma_start3A_53 = tpu.memref_squeeze %dma_start3A_52 : memref<1x128x64xf32, #tpu.memory_space<vmem>> -> memref<128x64xf32, #tpu.memory_space<vmem>>
    %dma_start3A_54 = arith.constant 0 : i32
    %dma_start3A_55 = tpu.memref_slice %arg5[%dma_start3A_47, %dma_start3A_54] : memref<200x128xi32, #tpu.memory_space<vmem>> -> memref<1x128xi32, #tpu.memory_space<vmem>>
    %dma_start3A_56 = tpu.memref_squeeze %dma_start3A_55 : memref<1x128xi32, #tpu.memory_space<vmem>> -> memref<128xi32, #tpu.memory_space<vmem>>
    %dma_start3A_57 = arith.constant 0 : i32
    %dma_start3A_58 = arith.constant 0 : i32
    %dma_start3A_59 = tpu.memref_slice %arg3[%dma_start3A_57, %dma_start3A_58] : memref<1000000x64xf32, #tpu.memory_space<hbm>> -> memref<1000000x64xf32, #tpu.memory_space<hbm>>
    %dma_start3A_60 = tpu.memref_slice %arg7[%dma_start3A_49] : memref<8x!tpu.dma_semaphore, #tpu.memory_space<semaphore_mem>> -> memref<1x!tpu.dma_semaphore, #tpu.memory_space<semaphore_mem>>
    %dma_start3A_61 = tpu.memref_squeeze %dma_start3A_60 : memref<1x!tpu.dma_semaphore, #tpu.memory_space<semaphore_mem>> -> memref<!tpu.dma_semaphore, #tpu.memory_space<semaphore_mem>>
    tpu.enqueue_indirect_dma source(%dma_start3A_59 : memref<1000000x64xf32, #tpu.memory_space<hbm>>) target(%dma_start3A_53 : memref<128x64xf32, #tpu.memory_space<vmem>>) offsets(%dma_start3A_56 : memref<128xi32, #tpu.memory_space<vmem>>) semaphore(%dma_start3A_61 : memref<!tpu.dma_semaphore, #tpu.memory_space<semaphore_mem>>)
    %scan3A = arith.constant 0 : i32
    %scan3A_62 = arith.constant 0 : i32
    %scan3A_63 = arith.constant 25 : i32
    %scan3A_64 = arith.addi %scan3A_62, %scan3A_63 : i32
    %scan3A_65 = arith.constant 1 : i32
    scf.for %scan3A_210 = %scan3A_62 to %scan3A_64 step %scan3A_65  : i32 {
      %mul3A_211 = arith.constant 8 : i32
      %mul3A_212 = arith.muli %scan3A_210, %mul3A_211 : i32
      %add3A_213 = arith.constant 0 : i32
      %add3A_214 = arith.addi %mul3A_212, %add3A_213 : i32
      %add3A_215 = arith.constant 4 : i32
      %add3A_216 = arith.addi %add3A_214, %add3A_215 : i32
      %dma_wait3A_217 = arith.constant 0 : i32
      %dma_wait3A_218 = arith.constant 0 : i32
      %dma_wait3A_219 = arith.constant 0 : i32
      %dma_wait3A_220 = arith.constant 0 : i32
      %dma_wait3A_221 = tpu.memref_slice %arg6[%dma_wait3A_217, %dma_wait3A_219, %dma_wait3A_220] : memref<8x128x64xf32, #tpu.memory_space<vmem>> -> memref<1x128x64xf32, #tpu.memory_space<vmem>>
      %dma_wait3A_222 = tpu.memref_squeeze %dma_wait3A_221 : memref<1x128x64xf32, #tpu.memory_space<vmem>> -> memref<128x64xf32, #tpu.memory_space<vmem>>
      %dma_wait3A_223 = arith.constant 0 : i32
      %dma_wait3A_224 = tpu.memref_slice %arg5[%add3A_214, %dma_wait3A_223] : memref<200x128xi32, #tpu.memory_space<vmem>> -> memref<1x128xi32, #tpu.memory_space<vmem>>
      %dma_wait3A_225 = tpu.memref_squeeze %dma_wait3A_224 : memref<1x128xi32, #tpu.memory_space<vmem>> -> memref<128xi32, #tpu.memory_space<vmem>>
      %dma_wait3A_226 = arith.constant 0 : i32
      %dma_wait3A_227 = arith.constant 0 : i32
      %dma_wait3A_228 = tpu.memref_slice %arg3[%dma_wait3A_226, %dma_wait3A_227] : memref<1000000x64xf32, #tpu.memory_space<hbm>> -> memref<1000000x64xf32, #tpu.memory_space<hbm>>
      %dma_wait3A_229 = tpu.memref_slice %arg7[%dma_wait3A_218] : memref<8x!tpu.dma_semaphore, #tpu.memory_space<semaphore_mem>> -> memref<1x!tpu.dma_semaphore, #tpu.memory_space<semaphore_mem>>
      %dma_wait3A_230 = tpu.memref_squeeze %dma_wait3A_229 : memref<1x!tpu.dma_semaphore, #tpu.memory_space<semaphore_mem>> -> memref<!tpu.dma_semaphore, #tpu.memory_space<semaphore_mem>>
      tpu.wait_indirect_dma semaphore(%dma_wait3A_230 : memref<!tpu.dma_semaphore, #tpu.memory_space<semaphore_mem>>) src(%dma_wait3A_228 : memref<1000000x64xf32, #tpu.memory_space<hbm>>) dst(%dma_wait3A_222 : memref<128x64xf32, #tpu.memory_space<vmem>>)
      %mul3A_231 = arith.constant 128 : i32
      %mul3A_232 = arith.muli %add3A_214, %mul3A_231 : i32
      %add3A_233 = arith.addi %mul3A_2, %mul3A_232 : i32
      %dma_start3A_234 = arith.constant 0 : i32
      %dma_start3A_235 = arith.constant 0 : i32
      %dma_start3A_236 = arith.constant 0 : i32
      %dma_start3A_237 = arith.constant 0 : i32
      %dma_start3A_238 = tpu.memref_slice %arg6[%dma_start3A_234, %dma_start3A_236, %dma_start3A_237] : memref<8x128x64xf32, #tpu.memory_space<vmem>> -> memref<1x128x64xf32, #tpu.memory_space<vmem>>
      %dma_start3A_239 = tpu.memref_squeeze %dma_start3A_238 : memref<1x128x64xf32, #tpu.memory_space<vmem>> -> memref<128x64xf32, #tpu.memory_space<vmem>>
      %dma_start3A_240 = arith.constant 0 : i32
      %dma_start3A_241 = tpu.memref_slice %arg4[%add3A_233, %dma_start3A_240] : memref<819200x128xf32, #tpu.memory_space<hbm>> -> memref<128x64xf32, #tpu.memory_space<hbm>>
      %dma_start3A_242 = tpu.memref_slice %arg8[%dma_start3A_235] : memref<8x!tpu.dma_semaphore, #tpu.memory_space<semaphore_mem>> -> memref<1x!tpu.dma_semaphore, #tpu.memory_space<semaphore_mem>>
      %dma_start3A_243 = tpu.memref_squeeze %dma_start3A_242 : memref<1x!tpu.dma_semaphore, #tpu.memory_space<semaphore_mem>> -> memref<!tpu.dma_semaphore, #tpu.memory_space<semaphore_mem>>
      %dma_start3A_244 = arith.constant 0 : i32
      %dma_start3A_245 = tpu.memref_slice %arg4[%add3A_233, %dma_start3A_244] : memref<819200x128xf32, #tpu.memory_space<hbm>> -> memref<128x64xf32, #tpu.memory_space<hbm>>
      %dma_start3A_246 = arith.constant 0 : i32
      %dma_start3A_247 = arith.constant 0 : i32
      %dma_start3A_248 = tpu.memref_slice %arg6[%dma_start3A_234, %dma_start3A_246, %dma_start3A_247] : memref<8x128x64xf32, #tpu.memory_space<vmem>> -> memref<1x128x64xf32, #tpu.memory_space<vmem>>
      %dma_start3A_249 = tpu.memref_squeeze %dma_start3A_248 : memref<1x128x64xf32, #tpu.memory_space<vmem>> -> memref<128x64xf32, #tpu.memory_space<vmem>>
      tpu.enqueue_dma source(%dma_start3A_249 : memref<128x64xf32, #tpu.memory_space<vmem>>) target(%dma_start3A_245 : memref<128x64xf32, #tpu.memory_space<hbm>>) target_semaphore(%dma_start3A_243 : memref<!tpu.dma_semaphore, #tpu.memory_space<semaphore_mem>>)
      %ge3A = arith.constant 8 : i32
      %ge3A_250 = arith.cmpi sge, %add3A_216, %ge3A : i32
      %lt3A = arith.constant 200 : i32
      %lt3A_251 = arith.cmpi slt, %add3A_216, %lt3A : i32
      %and3A = arith.andi %ge3A_250, %lt3A_251 : i1
      %convert_element_type3A = arith.extui %and3A : i1 to i32
      %cond3A = arith.constant 0 : i32
      %cond3A_252 = arith.cmpi ne, %convert_element_type3A, %cond3A : i32
      scf.if %cond3A_252 {
        %sub3A = arith.constant 8 : i32
        %sub3A_622 = arith.subi %add3A_216, %sub3A : i32
        %mul3A_623 = arith.constant 128 : i32
        %mul3A_624 = arith.muli %sub3A_622, %mul3A_623 : i32
        %add3A_625 = arith.addi %mul3A_2, %mul3A_624 : i32
        %dma_wait3A_626 = arith.constant 4 : i32
        %dma_wait3A_627 = arith.constant 4 : i32
        %dma_wait3A_628 = arith.constant 0 : i32
        %dma_wait3A_629 = arith.constant 0 : i32
        %dma_wait3A_630 = tpu.memref_slice %arg6[%dma_wait3A_626, %dma_wait3A_628, %dma_wait3A_629] : memref<8x128x64xf32, #tpu.memory_space<vmem>> -> memref<1x128x64xf32, #tpu.memory_space<vmem>>
        %dma_wait3A_631 = tpu.memref_squeeze %dma_wait3A_630 : memref<1x128x64xf32, #tpu.memory_space<vmem>> -> memref<128x64xf32, #tpu.memory_space<vmem>>
        %dma_wait3A_632 = arith.constant 0 : i32
        %dma_wait3A_633 = tpu.memref_slice %arg4[%add3A_625, %dma_wait3A_632] : memref<819200x128xf32, #tpu.memory_space<hbm>> -> memref<128x64xf32, #tpu.memory_space<hbm>>
        %dma_wait3A_634 = tpu.memref_slice %arg8[%dma_wait3A_627] : memref<8x!tpu.dma_semaphore, #tpu.memory_space<semaphore_mem>> -> memref<1x!tpu.dma_semaphore, #tpu.memory_space<semaphore_mem>>
        %dma_wait3A_635 = tpu.memref_squeeze %dma_wait3A_634 : memref<1x!tpu.dma_semaphore, #tpu.memory_space<semaphore_mem>> -> memref<!tpu.dma_semaphore, #tpu.memory_space<semaphore_mem>>
        %dma_wait3A_636 = arith.constant 0 : i32
        %dma_wait3A_637 = tpu.memref_slice %arg4[%add3A_625, %dma_wait3A_636] : memref<819200x128xf32, #tpu.memory_space<hbm>> -> memref<128x64xf32, #tpu.memory_space<hbm>>
        %dma_wait3A_638 = arith.constant 0 : i32
        %dma_wait3A_639 = arith.constant 0 : i32
        %dma_wait3A_640 = tpu.memref_slice %arg6[%dma_wait3A_626, %dma_wait3A_638, %dma_wait3A_639] : memref<8x128x64xf32, #tpu.memory_space<vmem>> -> memref<1x128x64xf32, #tpu.memory_space<vmem>>
        %dma_wait3A_641 = tpu.memref_squeeze %dma_wait3A_640 : memref<1x128x64xf32, #tpu.memory_space<vmem>> -> memref<128x64xf32, #tpu.memory_space<vmem>>
        tpu.wait_dma2 semaphore(%dma_wait3A_635 : memref<!tpu.dma_semaphore, #tpu.memory_space<semaphore_mem>>) src(%dma_wait3A_641 : memref<128x64xf32, #tpu.memory_space<vmem>>) dst(%dma_wait3A_637 : memref<128x64xf32, #tpu.memory_space<hbm>>)
      } else {
      }
      %lt3A_253 = arith.constant 200 : i32
      %lt3A_254 = arith.cmpi slt, %add3A_216, %lt3A_253 : i32
      %convert_element_type3A_255 = arith.extui %lt3A_254 : i1 to i32
      %cond3A_256 = arith.constant 0 : i32
      %cond3A_257 = arith.cmpi ne, %convert_element_type3A_255, %cond3A_256 : i32
      scf.if %cond3A_257 {
        %dma_start3A_622 = arith.constant 4 : i32
        %dma_start3A_623 = arith.constant 4 : i32
        %dma_start3A_624 = arith.constant 0 : i32
        %dma_start3A_625 = arith.constant 0 : i32
        %dma_start3A_626 = tpu.memref_slice %arg6[%dma_start3A_622, %dma_start3A_624, %dma_start3A_625] : memref<8x128x64xf32, #tpu.memory_space<vmem>> -> memref<1x128x64xf32, #tpu.memory_space<vmem>>
        %dma_start3A_627 = tpu.memref_squeeze %dma_start3A_626 : memref<1x128x64xf32, #tpu.memory_space<vmem>> -> memref<128x64xf32, #tpu.memory_space<vmem>>
        %dma_start3A_628 = arith.constant 0 : i32
        %dma_start3A_629 = tpu.memref_slice %arg5[%add3A_216, %dma_start3A_628] : memref<200x128xi32, #tpu.memory_space<vmem>> -> memref<1x128xi32, #tpu.memory_space<vmem>>
        %dma_start3A_630 = tpu.memref_squeeze %dma_start3A_629 : memref<1x128xi32, #tpu.memory_space<vmem>> -> memref<128xi32, #tpu.memory_space<vmem>>
        %dma_start3A_631 = arith.constant 0 : i32
        %dma_start3A_632 = arith.constant 0 : i32
        %dma_start3A_633 = tpu.memref_slice %arg3[%dma_start3A_631, %dma_start3A_632] : memref<1000000x64xf32, #tpu.memory_space<hbm>> -> memref<1000000x64xf32, #tpu.memory_space<hbm>>
        %dma_start3A_634 = tpu.memref_slice %arg7[%dma_start3A_623] : memref<8x!tpu.dma_semaphore, #tpu.memory_space<semaphore_mem>> -> memref<1x!tpu.dma_semaphore, #tpu.memory_space<semaphore_mem>>
        %dma_start3A_635 = tpu.memref_squeeze %dma_start3A_634 : memref<1x!tpu.dma_semaphore, #tpu.memory_space<semaphore_mem>> -> memref<!tpu.dma_semaphore, #tpu.memory_space<semaphore_mem>>
        tpu.enqueue_indirect_dma source(%dma_start3A_633 : memref<1000000x64xf32, #tpu.memory_space<hbm>>) target(%dma_start3A_627 : memref<128x64xf32, #tpu.memory_space<vmem>>) offsets(%dma_start3A_630 : memref<128xi32, #tpu.memory_space<vmem>>) semaphore(%dma_start3A_635 : memref<!tpu.dma_semaphore, #tpu.memory_space<semaphore_mem>>)
      } else {
      }
      %mul3A_258 = arith.constant 8 : i32
      %mul3A_259 = arith.muli %scan3A_210, %mul3A_258 : i32
      %add3A_260 = arith.constant 1 : i32
      %add3A_261 = arith.addi %mul3A_259, %add3A_260 : i32
      %add3A_262 = arith.constant 4 : i32
      %add3A_263 = arith.addi %add3A_261, %add3A_262 : i32
      %dma_wait3A_264 = arith.constant 1 : i32
      %dma_wait3A_265 = arith.constant 1 : i32
      %dma_wait3A_266 = arith.constant 0 : i32
      %dma_wait3A_267 = arith.constant 0 : i32
      %dma_wait3A_268 = tpu.memref_slice %arg6[%dma_wait3A_264, %dma_wait3A_266, %dma_wait3A_267] : memref<8x128x64xf32, #tpu.memory_space<vmem>> -> memref<1x128x64xf32, #tpu.memory_space<vmem>>
      %dma_wait3A_269 = tpu.memref_squeeze %dma_wait3A_268 : memref<1x128x64xf32, #tpu.memory_space<vmem>> -> memref<128x64xf32, #tpu.memory_space<vmem>>
      %dma_wait3A_270 = arith.constant 0 : i32
      %dma_wait3A_271 = tpu.memref_slice %arg5[%add3A_261, %dma_wait3A_270] : memref<200x128xi32, #tpu.memory_space<vmem>> -> memref<1x128xi32, #tpu.memory_space<vmem>>
      %dma_wait3A_272 = tpu.memref_squeeze %dma_wait3A_271 : memref<1x128xi32, #tpu.memory_space<vmem>> -> memref<128xi32, #tpu.memory_space<vmem>>
      %dma_wait3A_273 = arith.constant 0 : i32
      %dma_wait3A_274 = arith.constant 0 : i32
      %dma_wait3A_275 = tpu.memref_slice %arg3[%dma_wait3A_273, %dma_wait3A_274] : memref<1000000x64xf32, #tpu.memory_space<hbm>> -> memref<1000000x64xf32, #tpu.memory_space<hbm>>
      %dma_wait3A_276 = tpu.memref_slice %arg7[%dma_wait3A_265] : memref<8x!tpu.dma_semaphore, #tpu.memory_space<semaphore_mem>> -> memref<1x!tpu.dma_semaphore, #tpu.memory_space<semaphore_mem>>
      %dma_wait3A_277 = tpu.memref_squeeze %dma_wait3A_276 : memref<1x!tpu.dma_semaphore, #tpu.memory_space<semaphore_mem>> -> memref<!tpu.dma_semaphore, #tpu.memory_space<semaphore_mem>>
      tpu.wait_indirect_dma semaphore(%dma_wait3A_277 : memref<!tpu.dma_semaphore, #tpu.memory_space<semaphore_mem>>) src(%dma_wait3A_275 : memref<1000000x64xf32, #tpu.memory_space<hbm>>) dst(%dma_wait3A_269 : memref<128x64xf32, #tpu.memory_space<vmem>>)
      %mul3A_278 = arith.constant 128 : i32
      %mul3A_279 = arith.muli %add3A_261, %mul3A_278 : i32
      %add3A_280 = arith.addi %mul3A_2, %mul3A_279 : i32
      %dma_start3A_281 = arith.constant 1 : i32
      %dma_start3A_282 = arith.constant 1 : i32
      %dma_start3A_283 = arith.constant 0 : i32
      %dma_start3A_284 = arith.constant 0 : i32
      %dma_start3A_285 = tpu.memref_slice %arg6[%dma_start3A_281, %dma_start3A_283, %dma_start3A_284] : memref<8x128x64xf32, #tpu.memory_space<vmem>> -> memref<1x128x64xf32, #tpu.memory_space<vmem>>
      %dma_start3A_286 = tpu.memref_squeeze %dma_start3A_285 : memref<1x128x64xf32, #tpu.memory_space<vmem>> -> memref<128x64xf32, #tpu.memory_space<vmem>>
      %dma_start3A_287 = arith.constant 0 : i32
      %dma_start3A_288 = tpu.memref_slice %arg4[%add3A_280, %dma_start3A_287] : memref<819200x128xf32, #tpu.memory_space<hbm>> -> memref<128x64xf32, #tpu.memory_space<hbm>>
      %dma_start3A_289 = tpu.memref_slice %arg8[%dma_start3A_282] : memref<8x!tpu.dma_semaphore, #tpu.memory_space<semaphore_mem>> -> memref<1x!tpu.dma_semaphore, #tpu.memory_space<semaphore_mem>>
      %dma_start3A_290 = tpu.memref_squeeze %dma_start3A_289 : memref<1x!tpu.dma_semaphore, #tpu.memory_space<semaphore_mem>> -> memref<!tpu.dma_semaphore, #tpu.memory_space<semaphore_mem>>
      %dma_start3A_291 = arith.constant 0 : i32
      %dma_start3A_292 = tpu.memref_slice %arg4[%add3A_280, %dma_start3A_291] : memref<819200x128xf32, #tpu.memory_space<hbm>> -> memref<128x64xf32, #tpu.memory_space<hbm>>
      %dma_start3A_293 = arith.constant 0 : i32
      %dma_start3A_294 = arith.constant 0 : i32
      %dma_start3A_295 = tpu.memref_slice %arg6[%dma_start3A_281, %dma_start3A_293, %dma_start3A_294] : memref<8x128x64xf32, #tpu.memory_space<vmem>> -> memref<1x128x64xf32, #tpu.memory_space<vmem>>
      %dma_start3A_296 = tpu.memref_squeeze %dma_start3A_295 : memref<1x128x64xf32, #tpu.memory_space<vmem>> -> memref<128x64xf32, #tpu.memory_space<vmem>>
      tpu.enqueue_dma source(%dma_start3A_296 : memref<128x64xf32, #tpu.memory_space<vmem>>) target(%dma_start3A_292 : memref<128x64xf32, #tpu.memory_space<hbm>>) target_semaphore(%dma_start3A_290 : memref<!tpu.dma_semaphore, #tpu.memory_space<semaphore_mem>>)
      %ge3A_297 = arith.constant 8 : i32
      %ge3A_298 = arith.cmpi sge, %add3A_263, %ge3A_297 : i32
      %lt3A_299 = arith.constant 200 : i32
      %lt3A_300 = arith.cmpi slt, %add3A_263, %lt3A_299 : i32
      %and3A_301 = arith.andi %ge3A_298, %lt3A_300 : i1
      %convert_element_type3A_302 = arith.extui %and3A_301 : i1 to i32
      %cond3A_303 = arith.constant 0 : i32
      %cond3A_304 = arith.cmpi ne, %convert_element_type3A_302, %cond3A_303 : i32
      scf.if %cond3A_304 {
        %sub3A = arith.constant 8 : i32
        %sub3A_622 = arith.subi %add3A_263, %sub3A : i32
        %mul3A_623 = arith.constant 128 : i32
        %mul3A_624 = arith.muli %sub3A_622, %mul3A_623 : i32
        %add3A_625 = arith.addi %mul3A_2, %mul3A_624 : i32
        %dma_wait3A_626 = arith.constant 5 : i32
        %dma_wait3A_627 = arith.constant 5 : i32
        %dma_wait3A_628 = arith.constant 0 : i32
        %dma_wait3A_629 = arith.constant 0 : i32
        %dma_wait3A_630 = tpu.memref_slice %arg6[%dma_wait3A_626, %dma_wait3A_628, %dma_wait3A_629] : memref<8x128x64xf32, #tpu.memory_space<vmem>> -> memref<1x128x64xf32, #tpu.memory_space<vmem>>
        %dma_wait3A_631 = tpu.memref_squeeze %dma_wait3A_630 : memref<1x128x64xf32, #tpu.memory_space<vmem>> -> memref<128x64xf32, #tpu.memory_space<vmem>>
        %dma_wait3A_632 = arith.constant 0 : i32
        %dma_wait3A_633 = tpu.memref_slice %arg4[%add3A_625, %dma_wait3A_632] : memref<819200x128xf32, #tpu.memory_space<hbm>> -> memref<128x64xf32, #tpu.memory_space<hbm>>
        %dma_wait3A_634 = tpu.memref_slice %arg8[%dma_wait3A_627] : memref<8x!tpu.dma_semaphore, #tpu.memory_space<semaphore_mem>> -> memref<1x!tpu.dma_semaphore, #tpu.memory_space<semaphore_mem>>
        %dma_wait3A_635 = tpu.memref_squeeze %dma_wait3A_634 : memref<1x!tpu.dma_semaphore, #tpu.memory_space<semaphore_mem>> -> memref<!tpu.dma_semaphore, #tpu.memory_space<semaphore_mem>>
        %dma_wait3A_636 = arith.constant 0 : i32
        %dma_wait3A_637 = tpu.memref_slice %arg4[%add3A_625, %dma_wait3A_636] : memref<819200x128xf32, #tpu.memory_space<hbm>> -> memref<128x64xf32, #tpu.memory_space<hbm>>
        %dma_wait3A_638 = arith.constant 0 : i32
        %dma_wait3A_639 = arith.constant 0 : i32
        %dma_wait3A_640 = tpu.memref_slice %arg6[%dma_wait3A_626, %dma_wait3A_638, %dma_wait3A_639] : memref<8x128x64xf32, #tpu.memory_space<vmem>> -> memref<1x128x64xf32, #tpu.memory_space<vmem>>
        %dma_wait3A_641 = tpu.memref_squeeze %dma_wait3A_640 : memref<1x128x64xf32, #tpu.memory_space<vmem>> -> memref<128x64xf32, #tpu.memory_space<vmem>>
        tpu.wait_dma2 semaphore(%dma_wait3A_635 : memref<!tpu.dma_semaphore, #tpu.memory_space<semaphore_mem>>) src(%dma_wait3A_641 : memref<128x64xf32, #tpu.memory_space<vmem>>) dst(%dma_wait3A_637 : memref<128x64xf32, #tpu.memory_space<hbm>>)
      } else {
      }
      %lt3A_305 = arith.constant 200 : i32
      %lt3A_306 = arith.cmpi slt, %add3A_263, %lt3A_305 : i32
      %convert_element_type3A_307 = arith.extui %lt3A_306 : i1 to i32
      %cond3A_308 = arith.constant 0 : i32
      %cond3A_309 = arith.cmpi ne, %convert_element_type3A_307, %cond3A_308 : i32
      scf.if %cond3A_309 {
        %dma_start3A_622 = arith.constant 5 : i32
        %dma_start3A_623 = arith.constant 5 : i32
        %dma_start3A_624 = arith.constant 0 : i32
        %dma_start3A_625 = arith.constant 0 : i32
        %dma_start3A_626 = tpu.memref_slice %arg6[%dma_start3A_622, %dma_start3A_624, %dma_start3A_625] : memref<8x128x64xf32, #tpu.memory_space<vmem>> -> memref<1x128x64xf32, #tpu.memory_space<vmem>>
        %dma_start3A_627 = tpu.memref_squeeze %dma_start3A_626 : memref<1x128x64xf32, #tpu.memory_space<vmem>> -> memref<128x64xf32, #tpu.memory_space<vmem>>
        %dma_start3A_628 = arith.constant 0 : i32
        %dma_start3A_629 = tpu.memref_slice %arg5[%add3A_263, %dma_start3A_628] : memref<200x128xi32, #tpu.memory_space<vmem>> -> memref<1x128xi32, #tpu.memory_space<vmem>>
        %dma_start3A_630 = tpu.memref_squeeze %dma_start3A_629 : memref<1x128xi32, #tpu.memory_space<vmem>> -> memref<128xi32, #tpu.memory_space<vmem>>
        %dma_start3A_631 = arith.constant 0 : i32
        %dma_start3A_632 = arith.constant 0 : i32
        %dma_start3A_633 = tpu.memref_slice %arg3[%dma_start3A_631, %dma_start3A_632] : memref<1000000x64xf32, #tpu.memory_space<hbm>> -> memref<1000000x64xf32, #tpu.memory_space<hbm>>
        %dma_start3A_634 = tpu.memref_slice %arg7[%dma_start3A_623] : memref<8x!tpu.dma_semaphore, #tpu.memory_space<semaphore_mem>> -> memref<1x!tpu.dma_semaphore, #tpu.memory_space<semaphore_mem>>
        %dma_start3A_635 = tpu.memref_squeeze %dma_start3A_634 : memref<1x!tpu.dma_semaphore, #tpu.memory_space<semaphore_mem>> -> memref<!tpu.dma_semaphore, #tpu.memory_space<semaphore_mem>>
        tpu.enqueue_indirect_dma source(%dma_start3A_633 : memref<1000000x64xf32, #tpu.memory_space<hbm>>) target(%dma_start3A_627 : memref<128x64xf32, #tpu.memory_space<vmem>>) offsets(%dma_start3A_630 : memref<128xi32, #tpu.memory_space<vmem>>) semaphore(%dma_start3A_635 : memref<!tpu.dma_semaphore, #tpu.memory_space<semaphore_mem>>)
      } else {
      }
      %mul3A_310 = arith.constant 8 : i32
      %mul3A_311 = arith.muli %scan3A_210, %mul3A_310 : i32
      %add3A_312 = arith.constant 2 : i32
      %add3A_313 = arith.addi %mul3A_311, %add3A_312 : i32
      %add3A_314 = arith.constant 4 : i32
      %add3A_315 = arith.addi %add3A_313, %add3A_314 : i32
      %dma_wait3A_316 = arith.constant 2 : i32
      %dma_wait3A_317 = arith.constant 2 : i32
      %dma_wait3A_318 = arith.constant 0 : i32
      %dma_wait3A_319 = arith.constant 0 : i32
      %dma_wait3A_320 = tpu.memref_slice %arg6[%dma_wait3A_316, %dma_wait3A_318, %dma_wait3A_319] : memref<8x128x64xf32, #tpu.memory_space<vmem>> -> memref<1x128x64xf32, #tpu.memory_space<vmem>>
      %dma_wait3A_321 = tpu.memref_squeeze %dma_wait3A_320 : memref<1x128x64xf32, #tpu.memory_space<vmem>> -> memref<128x64xf32, #tpu.memory_space<vmem>>
      %dma_wait3A_322 = arith.constant 0 : i32
      %dma_wait3A_323 = tpu.memref_slice %arg5[%add3A_313, %dma_wait3A_322] : memref<200x128xi32, #tpu.memory_space<vmem>> -> memref<1x128xi32, #tpu.memory_space<vmem>>
      %dma_wait3A_324 = tpu.memref_squeeze %dma_wait3A_323 : memref<1x128xi32, #tpu.memory_space<vmem>> -> memref<128xi32, #tpu.memory_space<vmem>>
      %dma_wait3A_325 = arith.constant 0 : i32
      %dma_wait3A_326 = arith.constant 0 : i32
      %dma_wait3A_327 = tpu.memref_slice %arg3[%dma_wait3A_325, %dma_wait3A_326] : memref<1000000x64xf32, #tpu.memory_space<hbm>> -> memref<1000000x64xf32, #tpu.memory_space<hbm>>
      %dma_wait3A_328 = tpu.memref_slice %arg7[%dma_wait3A_317] : memref<8x!tpu.dma_semaphore, #tpu.memory_space<semaphore_mem>> -> memref<1x!tpu.dma_semaphore, #tpu.memory_space<semaphore_mem>>
      %dma_wait3A_329 = tpu.memref_squeeze %dma_wait3A_328 : memref<1x!tpu.dma_semaphore, #tpu.memory_space<semaphore_mem>> -> memref<!tpu.dma_semaphore, #tpu.memory_space<semaphore_mem>>
      tpu.wait_indirect_dma semaphore(%dma_wait3A_329 : memref<!tpu.dma_semaphore, #tpu.memory_space<semaphore_mem>>) src(%dma_wait3A_327 : memref<1000000x64xf32, #tpu.memory_space<hbm>>) dst(%dma_wait3A_321 : memref<128x64xf32, #tpu.memory_space<vmem>>)
      %mul3A_330 = arith.constant 128 : i32
      %mul3A_331 = arith.muli %add3A_313, %mul3A_330 : i32
      %add3A_332 = arith.addi %mul3A_2, %mul3A_331 : i32
      %dma_start3A_333 = arith.constant 2 : i32
      %dma_start3A_334 = arith.constant 2 : i32
      %dma_start3A_335 = arith.constant 0 : i32
      %dma_start3A_336 = arith.constant 0 : i32
      %dma_start3A_337 = tpu.memref_slice %arg6[%dma_start3A_333, %dma_start3A_335, %dma_start3A_336] : memref<8x128x64xf32, #tpu.memory_space<vmem>> -> memref<1x128x64xf32, #tpu.memory_space<vmem>>
      %dma_start3A_338 = tpu.memref_squeeze %dma_start3A_337 : memref<1x128x64xf32, #tpu.memory_space<vmem>> -> memref<128x64xf32, #tpu.memory_space<vmem>>
      %dma_start3A_339 = arith.constant 0 : i32
      %dma_start3A_340 = tpu.memref_slice %arg4[%add3A_332, %dma_start3A_339] : memref<819200x128xf32, #tpu.memory_space<hbm>> -> memref<128x64xf32, #tpu.memory_space<hbm>>
      %dma_start3A_341 = tpu.memref_slice %arg8[%dma_start3A_334] : memref<8x!tpu.dma_semaphore, #tpu.memory_space<semaphore_mem>> -> memref<1x!tpu.dma_semaphore, #tpu.memory_space<semaphore_mem>>
      %dma_start3A_342 = tpu.memref_squeeze %dma_start3A_341 : memref<1x!tpu.dma_semaphore, #tpu.memory_space<semaphore_mem>> -> memref<!tpu.dma_semaphore, #tpu.memory_space<semaphore_mem>>
      %dma_start3A_343 = arith.constant 0 : i32
      %dma_start3A_344 = tpu.memref_slice %arg4[%add3A_332, %dma_start3A_343] : memref<819200x128xf32, #tpu.memory_space<hbm>> -> memref<128x64xf32, #tpu.memory_space<hbm>>
      %dma_start3A_345 = arith.constant 0 : i32
      %dma_start3A_346 = arith.constant 0 : i32
      %dma_start3A_347 = tpu.memref_slice %arg6[%dma_start3A_333, %dma_start3A_345, %dma_start3A_346] : memref<8x128x64xf32, #tpu.memory_space<vmem>> -> memref<1x128x64xf32, #tpu.memory_space<vmem>>
      %dma_start3A_348 = tpu.memref_squeeze %dma_start3A_347 : memref<1x128x64xf32, #tpu.memory_space<vmem>> -> memref<128x64xf32, #tpu.memory_space<vmem>>
      tpu.enqueue_dma source(%dma_start3A_348 : memref<128x64xf32, #tpu.memory_space<vmem>>) target(%dma_start3A_344 : memref<128x64xf32, #tpu.memory_space<hbm>>) target_semaphore(%dma_start3A_342 : memref<!tpu.dma_semaphore, #tpu.memory_space<semaphore_mem>>)
      %ge3A_349 = arith.constant 8 : i32
      %ge3A_350 = arith.cmpi sge, %add3A_315, %ge3A_349 : i32
      %lt3A_351 = arith.constant 200 : i32
      %lt3A_352 = arith.cmpi slt, %add3A_315, %lt3A_351 : i32
      %and3A_353 = arith.andi %ge3A_350, %lt3A_352 : i1
      %convert_element_type3A_354 = arith.extui %and3A_353 : i1 to i32
      %cond3A_355 = arith.constant 0 : i32
      %cond3A_356 = arith.cmpi ne, %convert_element_type3A_354, %cond3A_355 : i32
      scf.if %cond3A_356 {
        %sub3A = arith.constant 8 : i32
        %sub3A_622 = arith.subi %add3A_315, %sub3A : i32
        %mul3A_623 = arith.constant 128 : i32
        %mul3A_624 = arith.muli %sub3A_622, %mul3A_623 : i32
        %add3A_625 = arith.addi %mul3A_2, %mul3A_624 : i32
        %dma_wait3A_626 = arith.constant 6 : i32
        %dma_wait3A_627 = arith.constant 6 : i32
        %dma_wait3A_628 = arith.constant 0 : i32
        %dma_wait3A_629 = arith.constant 0 : i32
        %dma_wait3A_630 = tpu.memref_slice %arg6[%dma_wait3A_626, %dma_wait3A_628, %dma_wait3A_629] : memref<8x128x64xf32, #tpu.memory_space<vmem>> -> memref<1x128x64xf32, #tpu.memory_space<vmem>>
        %dma_wait3A_631 = tpu.memref_squeeze %dma_wait3A_630 : memref<1x128x64xf32, #tpu.memory_space<vmem>> -> memref<128x64xf32, #tpu.memory_space<vmem>>
        %dma_wait3A_632 = arith.constant 0 : i32
        %dma_wait3A_633 = tpu.memref_slice %arg4[%add3A_625, %dma_wait3A_632] : memref<819200x128xf32, #tpu.memory_space<hbm>> -> memref<128x64xf32, #tpu.memory_space<hbm>>
        %dma_wait3A_634 = tpu.memref_slice %arg8[%dma_wait3A_627] : memref<8x!tpu.dma_semaphore, #tpu.memory_space<semaphore_mem>> -> memref<1x!tpu.dma_semaphore, #tpu.memory_space<semaphore_mem>>
        %dma_wait3A_635 = tpu.memref_squeeze %dma_wait3A_634 : memref<1x!tpu.dma_semaphore, #tpu.memory_space<semaphore_mem>> -> memref<!tpu.dma_semaphore, #tpu.memory_space<semaphore_mem>>
        %dma_wait3A_636 = arith.constant 0 : i32
        %dma_wait3A_637 = tpu.memref_slice %arg4[%add3A_625, %dma_wait3A_636] : memref<819200x128xf32, #tpu.memory_space<hbm>> -> memref<128x64xf32, #tpu.memory_space<hbm>>
        %dma_wait3A_638 = arith.constant 0 : i32
        %dma_wait3A_639 = arith.constant 0 : i32
        %dma_wait3A_640 = tpu.memref_slice %arg6[%dma_wait3A_626, %dma_wait3A_638, %dma_wait3A_639] : memref<8x128x64xf32, #tpu.memory_space<vmem>> -> memref<1x128x64xf32, #tpu.memory_space<vmem>>
        %dma_wait3A_641 = tpu.memref_squeeze %dma_wait3A_640 : memref<1x128x64xf32, #tpu.memory_space<vmem>> -> memref<128x64xf32, #tpu.memory_space<vmem>>
        tpu.wait_dma2 semaphore(%dma_wait3A_635 : memref<!tpu.dma_semaphore, #tpu.memory_space<semaphore_mem>>) src(%dma_wait3A_641 : memref<128x64xf32, #tpu.memory_space<vmem>>) dst(%dma_wait3A_637 : memref<128x64xf32, #tpu.memory_space<hbm>>)
      } else {
      }
      %lt3A_357 = arith.constant 200 : i32
      %lt3A_358 = arith.cmpi slt, %add3A_315, %lt3A_357 : i32
      %convert_element_type3A_359 = arith.extui %lt3A_358 : i1 to i32
      %cond3A_360 = arith.constant 0 : i32
      %cond3A_361 = arith.cmpi ne, %convert_element_type3A_359, %cond3A_360 : i32
      scf.if %cond3A_361 {
        %dma_start3A_622 = arith.constant 6 : i32
        %dma_start3A_623 = arith.constant 6 : i32
        %dma_start3A_624 = arith.constant 0 : i32
        %dma_start3A_625 = arith.constant 0 : i32
        %dma_start3A_626 = tpu.memref_slice %arg6[%dma_start3A_622, %dma_start3A_624, %dma_start3A_625] : memref<8x128x64xf32, #tpu.memory_space<vmem>> -> memref<1x128x64xf32, #tpu.memory_space<vmem>>
        %dma_start3A_627 = tpu.memref_squeeze %dma_start3A_626 : memref<1x128x64xf32, #tpu.memory_space<vmem>> -> memref<128x64xf32, #tpu.memory_space<vmem>>
        %dma_start3A_628 = arith.constant 0 : i32
        %dma_start3A_629 = tpu.memref_slice %arg5[%add3A_315, %dma_start3A_628] : memref<200x128xi32, #tpu.memory_space<vmem>> -> memref<1x128xi32, #tpu.memory_space<vmem>>
        %dma_start3A_630 = tpu.memref_squeeze %dma_start3A_629 : memref<1x128xi32, #tpu.memory_space<vmem>> -> memref<128xi32, #tpu.memory_space<vmem>>
        %dma_start3A_631 = arith.constant 0 : i32
        %dma_start3A_632 = arith.constant 0 : i32
        %dma_start3A_633 = tpu.memref_slice %arg3[%dma_start3A_631, %dma_start3A_632] : memref<1000000x64xf32, #tpu.memory_space<hbm>> -> memref<1000000x64xf32, #tpu.memory_space<hbm>>
        %dma_start3A_634 = tpu.memref_slice %arg7[%dma_start3A_623] : memref<8x!tpu.dma_semaphore, #tpu.memory_space<semaphore_mem>> -> memref<1x!tpu.dma_semaphore, #tpu.memory_space<semaphore_mem>>
        %dma_start3A_635 = tpu.memref_squeeze %dma_start3A_634 : memref<1x!tpu.dma_semaphore, #tpu.memory_space<semaphore_mem>> -> memref<!tpu.dma_semaphore, #tpu.memory_space<semaphore_mem>>
        tpu.enqueue_indirect_dma source(%dma_start3A_633 : memref<1000000x64xf32, #tpu.memory_space<hbm>>) target(%dma_start3A_627 : memref<128x64xf32, #tpu.memory_space<vmem>>) offsets(%dma_start3A_630 : memref<128xi32, #tpu.memory_space<vmem>>) semaphore(%dma_start3A_635 : memref<!tpu.dma_semaphore, #tpu.memory_space<semaphore_mem>>)
      } else {
      }
      %mul3A_362 = arith.constant 8 : i32
      %mul3A_363 = arith.muli %scan3A_210, %mul3A_362 : i32
      %add3A_364 = arith.constant 3 : i32
      %add3A_365 = arith.addi %mul3A_363, %add3A_364 : i32
      %add3A_366 = arith.constant 4 : i32
      %add3A_367 = arith.addi %add3A_365, %add3A_366 : i32
      %dma_wait3A_368 = arith.constant 3 : i32
      %dma_wait3A_369 = arith.constant 3 : i32
      %dma_wait3A_370 = arith.constant 0 : i32
      %dma_wait3A_371 = arith.constant 0 : i32
      %dma_wait3A_372 = tpu.memref_slice %arg6[%dma_wait3A_368, %dma_wait3A_370, %dma_wait3A_371] : memref<8x128x64xf32, #tpu.memory_space<vmem>> -> memref<1x128x64xf32, #tpu.memory_space<vmem>>
      %dma_wait3A_373 = tpu.memref_squeeze %dma_wait3A_372 : memref<1x128x64xf32, #tpu.memory_space<vmem>> -> memref<128x64xf32, #tpu.memory_space<vmem>>
      %dma_wait3A_374 = arith.constant 0 : i32
      %dma_wait3A_375 = tpu.memref_slice %arg5[%add3A_365, %dma_wait3A_374] : memref<200x128xi32, #tpu.memory_space<vmem>> -> memref<1x128xi32, #tpu.memory_space<vmem>>
      %dma_wait3A_376 = tpu.memref_squeeze %dma_wait3A_375 : memref<1x128xi32, #tpu.memory_space<vmem>> -> memref<128xi32, #tpu.memory_space<vmem>>
      %dma_wait3A_377 = arith.constant 0 : i32
      %dma_wait3A_378 = arith.constant 0 : i32
      %dma_wait3A_379 = tpu.memref_slice %arg3[%dma_wait3A_377, %dma_wait3A_378] : memref<1000000x64xf32, #tpu.memory_space<hbm>> -> memref<1000000x64xf32, #tpu.memory_space<hbm>>
      %dma_wait3A_380 = tpu.memref_slice %arg7[%dma_wait3A_369] : memref<8x!tpu.dma_semaphore, #tpu.memory_space<semaphore_mem>> -> memref<1x!tpu.dma_semaphore, #tpu.memory_space<semaphore_mem>>
      %dma_wait3A_381 = tpu.memref_squeeze %dma_wait3A_380 : memref<1x!tpu.dma_semaphore, #tpu.memory_space<semaphore_mem>> -> memref<!tpu.dma_semaphore, #tpu.memory_space<semaphore_mem>>
      tpu.wait_indirect_dma semaphore(%dma_wait3A_381 : memref<!tpu.dma_semaphore, #tpu.memory_space<semaphore_mem>>) src(%dma_wait3A_379 : memref<1000000x64xf32, #tpu.memory_space<hbm>>) dst(%dma_wait3A_373 : memref<128x64xf32, #tpu.memory_space<vmem>>)
      %mul3A_382 = arith.constant 128 : i32
      %mul3A_383 = arith.muli %add3A_365, %mul3A_382 : i32
      %add3A_384 = arith.addi %mul3A_2, %mul3A_383 : i32
      %dma_start3A_385 = arith.constant 3 : i32
      %dma_start3A_386 = arith.constant 3 : i32
      %dma_start3A_387 = arith.constant 0 : i32
      %dma_start3A_388 = arith.constant 0 : i32
      %dma_start3A_389 = tpu.memref_slice %arg6[%dma_start3A_385, %dma_start3A_387, %dma_start3A_388] : memref<8x128x64xf32, #tpu.memory_space<vmem>> -> memref<1x128x64xf32, #tpu.memory_space<vmem>>
      %dma_start3A_390 = tpu.memref_squeeze %dma_start3A_389 : memref<1x128x64xf32, #tpu.memory_space<vmem>> -> memref<128x64xf32, #tpu.memory_space<vmem>>
      %dma_start3A_391 = arith.constant 0 : i32
      %dma_start3A_392 = tpu.memref_slice %arg4[%add3A_384, %dma_start3A_391] : memref<819200x128xf32, #tpu.memory_space<hbm>> -> memref<128x64xf32, #tpu.memory_space<hbm>>
      %dma_start3A_393 = tpu.memref_slice %arg8[%dma_start3A_386] : memref<8x!tpu.dma_semaphore, #tpu.memory_space<semaphore_mem>> -> memref<1x!tpu.dma_semaphore, #tpu.memory_space<semaphore_mem>>
      %dma_start3A_394 = tpu.memref_squeeze %dma_start3A_393 : memref<1x!tpu.dma_semaphore, #tpu.memory_space<semaphore_mem>> -> memref<!tpu.dma_semaphore, #tpu.memory_space<semaphore_mem>>
      %dma_start3A_395 = arith.constant 0 : i32
      %dma_start3A_396 = tpu.memref_slice %arg4[%add3A_384, %dma_start3A_395] : memref<819200x128xf32, #tpu.memory_space<hbm>> -> memref<128x64xf32, #tpu.memory_space<hbm>>
      %dma_start3A_397 = arith.constant 0 : i32
      %dma_start3A_398 = arith.constant 0 : i32
      %dma_start3A_399 = tpu.memref_slice %arg6[%dma_start3A_385, %dma_start3A_397, %dma_start3A_398] : memref<8x128x64xf32, #tpu.memory_space<vmem>> -> memref<1x128x64xf32, #tpu.memory_space<vmem>>
      %dma_start3A_400 = tpu.memref_squeeze %dma_start3A_399 : memref<1x128x64xf32, #tpu.memory_space<vmem>> -> memref<128x64xf32, #tpu.memory_space<vmem>>
      tpu.enqueue_dma source(%dma_start3A_400 : memref<128x64xf32, #tpu.memory_space<vmem>>) target(%dma_start3A_396 : memref<128x64xf32, #tpu.memory_space<hbm>>) target_semaphore(%dma_start3A_394 : memref<!tpu.dma_semaphore, #tpu.memory_space<semaphore_mem>>)
      %ge3A_401 = arith.constant 8 : i32
      %ge3A_402 = arith.cmpi sge, %add3A_367, %ge3A_401 : i32
      %lt3A_403 = arith.constant 200 : i32
      %lt3A_404 = arith.cmpi slt, %add3A_367, %lt3A_403 : i32
      %and3A_405 = arith.andi %ge3A_402, %lt3A_404 : i1
      %convert_element_type3A_406 = arith.extui %and3A_405 : i1 to i32
      %cond3A_407 = arith.constant 0 : i32
      %cond3A_408 = arith.cmpi ne, %convert_element_type3A_406, %cond3A_407 : i32
      scf.if %cond3A_408 {
        %sub3A = arith.constant 8 : i32
        %sub3A_622 = arith.subi %add3A_367, %sub3A : i32
        %mul3A_623 = arith.constant 128 : i32
        %mul3A_624 = arith.muli %sub3A_622, %mul3A_623 : i32
        %add3A_625 = arith.addi %mul3A_2, %mul3A_624 : i32
        %dma_wait3A_626 = arith.constant 7 : i32
        %dma_wait3A_627 = arith.constant 7 : i32
        %dma_wait3A_628 = arith.constant 0 : i32
        %dma_wait3A_629 = arith.constant 0 : i32
        %dma_wait3A_630 = tpu.memref_slice %arg6[%dma_wait3A_626, %dma_wait3A_628, %dma_wait3A_629] : memref<8x128x64xf32, #tpu.memory_space<vmem>> -> memref<1x128x64xf32, #tpu.memory_space<vmem>>
        %dma_wait3A_631 = tpu.memref_squeeze %dma_wait3A_630 : memref<1x128x64xf32, #tpu.memory_space<vmem>> -> memref<128x64xf32, #tpu.memory_space<vmem>>
        %dma_wait3A_632 = arith.constant 0 : i32
        %dma_wait3A_633 = tpu.memref_slice %arg4[%add3A_625, %dma_wait3A_632] : memref<819200x128xf32, #tpu.memory_space<hbm>> -> memref<128x64xf32, #tpu.memory_space<hbm>>
        %dma_wait3A_634 = tpu.memref_slice %arg8[%dma_wait3A_627] : memref<8x!tpu.dma_semaphore, #tpu.memory_space<semaphore_mem>> -> memref<1x!tpu.dma_semaphore, #tpu.memory_space<semaphore_mem>>
        %dma_wait3A_635 = tpu.memref_squeeze %dma_wait3A_634 : memref<1x!tpu.dma_semaphore, #tpu.memory_space<semaphore_mem>> -> memref<!tpu.dma_semaphore, #tpu.memory_space<semaphore_mem>>
        %dma_wait3A_636 = arith.constant 0 : i32
        %dma_wait3A_637 = tpu.memref_slice %arg4[%add3A_625, %dma_wait3A_636] : memref<819200x128xf32, #tpu.memory_space<hbm>> -> memref<128x64xf32, #tpu.memory_space<hbm>>
        %dma_wait3A_638 = arith.constant 0 : i32
        %dma_wait3A_639 = arith.constant 0 : i32
        %dma_wait3A_640 = tpu.memref_slice %arg6[%dma_wait3A_626, %dma_wait3A_638, %dma_wait3A_639] : memref<8x128x64xf32, #tpu.memory_space<vmem>> -> memref<1x128x64xf32, #tpu.memory_space<vmem>>
        %dma_wait3A_641 = tpu.memref_squeeze %dma_wait3A_640 : memref<1x128x64xf32, #tpu.memory_space<vmem>> -> memref<128x64xf32, #tpu.memory_space<vmem>>
        tpu.wait_dma2 semaphore(%dma_wait3A_635 : memref<!tpu.dma_semaphore, #tpu.memory_space<semaphore_mem>>) src(%dma_wait3A_641 : memref<128x64xf32, #tpu.memory_space<vmem>>) dst(%dma_wait3A_637 : memref<128x64xf32, #tpu.memory_space<hbm>>)
      } else {
      }
      %lt3A_409 = arith.constant 200 : i32
      %lt3A_410 = arith.cmpi slt, %add3A_367, %lt3A_409 : i32
      %convert_element_type3A_411 = arith.extui %lt3A_410 : i1 to i32
      %cond3A_412 = arith.constant 0 : i32
      %cond3A_413 = arith.cmpi ne, %convert_element_type3A_411, %cond3A_412 : i32
      scf.if %cond3A_413 {
        %dma_start3A_622 = arith.constant 7 : i32
        %dma_start3A_623 = arith.constant 7 : i32
        %dma_start3A_624 = arith.constant 0 : i32
        %dma_start3A_625 = arith.constant 0 : i32
        %dma_start3A_626 = tpu.memref_slice %arg6[%dma_start3A_622, %dma_start3A_624, %dma_start3A_625] : memref<8x128x64xf32, #tpu.memory_space<vmem>> -> memref<1x128x64xf32, #tpu.memory_space<vmem>>
        %dma_start3A_627 = tpu.memref_squeeze %dma_start3A_626 : memref<1x128x64xf32, #tpu.memory_space<vmem>> -> memref<128x64xf32, #tpu.memory_space<vmem>>
        %dma_start3A_628 = arith.constant 0 : i32
        %dma_start3A_629 = tpu.memref_slice %arg5[%add3A_367, %dma_start3A_628] : memref<200x128xi32, #tpu.memory_space<vmem>> -> memref<1x128xi32, #tpu.memory_space<vmem>>
        %dma_start3A_630 = tpu.memref_squeeze %dma_start3A_629 : memref<1x128xi32, #tpu.memory_space<vmem>> -> memref<128xi32, #tpu.memory_space<vmem>>
        %dma_start3A_631 = arith.constant 0 : i32
        %dma_start3A_632 = arith.constant 0 : i32
        %dma_start3A_633 = tpu.memref_slice %arg3[%dma_start3A_631, %dma_start3A_632] : memref<1000000x64xf32, #tpu.memory_space<hbm>> -> memref<1000000x64xf32, #tpu.memory_space<hbm>>
        %dma_start3A_634 = tpu.memref_slice %arg7[%dma_start3A_623] : memref<8x!tpu.dma_semaphore, #tpu.memory_space<semaphore_mem>> -> memref<1x!tpu.dma_semaphore, #tpu.memory_space<semaphore_mem>>
        %dma_start3A_635 = tpu.memref_squeeze %dma_start3A_634 : memref<1x!tpu.dma_semaphore, #tpu.memory_space<semaphore_mem>> -> memref<!tpu.dma_semaphore, #tpu.memory_space<semaphore_mem>>
        tpu.enqueue_indirect_dma source(%dma_start3A_633 : memref<1000000x64xf32, #tpu.memory_space<hbm>>) target(%dma_start3A_627 : memref<128x64xf32, #tpu.memory_space<vmem>>) offsets(%dma_start3A_630 : memref<128xi32, #tpu.memory_space<vmem>>) semaphore(%dma_start3A_635 : memref<!tpu.dma_semaphore, #tpu.memory_space<semaphore_mem>>)
      } else {
      }
      %mul3A_414 = arith.constant 8 : i32
      %mul3A_415 = arith.muli %scan3A_210, %mul3A_414 : i32
      %add3A_416 = arith.constant 4 : i32
      %add3A_417 = arith.addi %mul3A_415, %add3A_416 : i32
      %add3A_418 = arith.constant 4 : i32
      %add3A_419 = arith.addi %add3A_417, %add3A_418 : i32
      %dma_wait3A_420 = arith.constant 4 : i32
      %dma_wait3A_421 = arith.constant 4 : i32
      %dma_wait3A_422 = arith.constant 0 : i32
      %dma_wait3A_423 = arith.constant 0 : i32
      %dma_wait3A_424 = tpu.memref_slice %arg6[%dma_wait3A_420, %dma_wait3A_422, %dma_wait3A_423] : memref<8x128x64xf32, #tpu.memory_space<vmem>> -> memref<1x128x64xf32, #tpu.memory_space<vmem>>
      %dma_wait3A_425 = tpu.memref_squeeze %dma_wait3A_424 : memref<1x128x64xf32, #tpu.memory_space<vmem>> -> memref<128x64xf32, #tpu.memory_space<vmem>>
      %dma_wait3A_426 = arith.constant 0 : i32
      %dma_wait3A_427 = tpu.memref_slice %arg5[%add3A_417, %dma_wait3A_426] : memref<200x128xi32, #tpu.memory_space<vmem>> -> memref<1x128xi32, #tpu.memory_space<vmem>>
      %dma_wait3A_428 = tpu.memref_squeeze %dma_wait3A_427 : memref<1x128xi32, #tpu.memory_space<vmem>> -> memref<128xi32, #tpu.memory_space<vmem>>
      %dma_wait3A_429 = arith.constant 0 : i32
      %dma_wait3A_430 = arith.constant 0 : i32
      %dma_wait3A_431 = tpu.memref_slice %arg3[%dma_wait3A_429, %dma_wait3A_430] : memref<1000000x64xf32, #tpu.memory_space<hbm>> -> memref<1000000x64xf32, #tpu.memory_space<hbm>>
      %dma_wait3A_432 = tpu.memref_slice %arg7[%dma_wait3A_421] : memref<8x!tpu.dma_semaphore, #tpu.memory_space<semaphore_mem>> -> memref<1x!tpu.dma_semaphore, #tpu.memory_space<semaphore_mem>>
      %dma_wait3A_433 = tpu.memref_squeeze %dma_wait3A_432 : memref<1x!tpu.dma_semaphore, #tpu.memory_space<semaphore_mem>> -> memref<!tpu.dma_semaphore, #tpu.memory_space<semaphore_mem>>
      tpu.wait_indirect_dma semaphore(%dma_wait3A_433 : memref<!tpu.dma_semaphore, #tpu.memory_space<semaphore_mem>>) src(%dma_wait3A_431 : memref<1000000x64xf32, #tpu.memory_space<hbm>>) dst(%dma_wait3A_425 : memref<128x64xf32, #tpu.memory_space<vmem>>)
      %mul3A_434 = arith.constant 128 : i32
      %mul3A_435 = arith.muli %add3A_417, %mul3A_434 : i32
      %add3A_436 = arith.addi %mul3A_2, %mul3A_435 : i32
      %dma_start3A_437 = arith.constant 4 : i32
      %dma_start3A_438 = arith.constant 4 : i32
      %dma_start3A_439 = arith.constant 0 : i32
      %dma_start3A_440 = arith.constant 0 : i32
      %dma_start3A_441 = tpu.memref_slice %arg6[%dma_start3A_437, %dma_start3A_439, %dma_start3A_440] : memref<8x128x64xf32, #tpu.memory_space<vmem>> -> memref<1x128x64xf32, #tpu.memory_space<vmem>>
      %dma_start3A_442 = tpu.memref_squeeze %dma_start3A_441 : memref<1x128x64xf32, #tpu.memory_space<vmem>> -> memref<128x64xf32, #tpu.memory_space<vmem>>
      %dma_start3A_443 = arith.constant 0 : i32
      %dma_start3A_444 = tpu.memref_slice %arg4[%add3A_436, %dma_start3A_443] : memref<819200x128xf32, #tpu.memory_space<hbm>> -> memref<128x64xf32, #tpu.memory_space<hbm>>
      %dma_start3A_445 = tpu.memref_slice %arg8[%dma_start3A_438] : memref<8x!tpu.dma_semaphore, #tpu.memory_space<semaphore_mem>> -> memref<1x!tpu.dma_semaphore, #tpu.memory_space<semaphore_mem>>
      %dma_start3A_446 = tpu.memref_squeeze %dma_start3A_445 : memref<1x!tpu.dma_semaphore, #tpu.memory_space<semaphore_mem>> -> memref<!tpu.dma_semaphore, #tpu.memory_space<semaphore_mem>>
      %dma_start3A_447 = arith.constant 0 : i32
      %dma_start3A_448 = tpu.memref_slice %arg4[%add3A_436, %dma_start3A_447] : memref<819200x128xf32, #tpu.memory_space<hbm>> -> memref<128x64xf32, #tpu.memory_space<hbm>>
      %dma_start3A_449 = arith.constant 0 : i32
      %dma_start3A_450 = arith.constant 0 : i32
      %dma_start3A_451 = tpu.memref_slice %arg6[%dma_start3A_437, %dma_start3A_449, %dma_start3A_450] : memref<8x128x64xf32, #tpu.memory_space<vmem>> -> memref<1x128x64xf32, #tpu.memory_space<vmem>>
      %dma_start3A_452 = tpu.memref_squeeze %dma_start3A_451 : memref<1x128x64xf32, #tpu.memory_space<vmem>> -> memref<128x64xf32, #tpu.memory_space<vmem>>
      tpu.enqueue_dma source(%dma_start3A_452 : memref<128x64xf32, #tpu.memory_space<vmem>>) target(%dma_start3A_448 : memref<128x64xf32, #tpu.memory_space<hbm>>) target_semaphore(%dma_start3A_446 : memref<!tpu.dma_semaphore, #tpu.memory_space<semaphore_mem>>)
      %ge3A_453 = arith.constant 8 : i32
      %ge3A_454 = arith.cmpi sge, %add3A_419, %ge3A_453 : i32
      %lt3A_455 = arith.constant 200 : i32
      %lt3A_456 = arith.cmpi slt, %add3A_419, %lt3A_455 : i32
      %and3A_457 = arith.andi %ge3A_454, %lt3A_456 : i1
      %convert_element_type3A_458 = arith.extui %and3A_457 : i1 to i32
      %cond3A_459 = arith.constant 0 : i32
      %cond3A_460 = arith.cmpi ne, %convert_element_type3A_458, %cond3A_459 : i32
      scf.if %cond3A_460 {
        %sub3A = arith.constant 8 : i32
        %sub3A_622 = arith.subi %add3A_419, %sub3A : i32
        %mul3A_623 = arith.constant 128 : i32
        %mul3A_624 = arith.muli %sub3A_622, %mul3A_623 : i32
        %add3A_625 = arith.addi %mul3A_2, %mul3A_624 : i32
        %dma_wait3A_626 = arith.constant 0 : i32
        %dma_wait3A_627 = arith.constant 0 : i32
        %dma_wait3A_628 = arith.constant 0 : i32
        %dma_wait3A_629 = arith.constant 0 : i32
        %dma_wait3A_630 = tpu.memref_slice %arg6[%dma_wait3A_626, %dma_wait3A_628, %dma_wait3A_629] : memref<8x128x64xf32, #tpu.memory_space<vmem>> -> memref<1x128x64xf32, #tpu.memory_space<vmem>>
        %dma_wait3A_631 = tpu.memref_squeeze %dma_wait3A_630 : memref<1x128x64xf32, #tpu.memory_space<vmem>> -> memref<128x64xf32, #tpu.memory_space<vmem>>
        %dma_wait3A_632 = arith.constant 0 : i32
        %dma_wait3A_633 = tpu.memref_slice %arg4[%add3A_625, %dma_wait3A_632] : memref<819200x128xf32, #tpu.memory_space<hbm>> -> memref<128x64xf32, #tpu.memory_space<hbm>>
        %dma_wait3A_634 = tpu.memref_slice %arg8[%dma_wait3A_627] : memref<8x!tpu.dma_semaphore, #tpu.memory_space<semaphore_mem>> -> memref<1x!tpu.dma_semaphore, #tpu.memory_space<semaphore_mem>>
        %dma_wait3A_635 = tpu.memref_squeeze %dma_wait3A_634 : memref<1x!tpu.dma_semaphore, #tpu.memory_space<semaphore_mem>> -> memref<!tpu.dma_semaphore, #tpu.memory_space<semaphore_mem>>
        %dma_wait3A_636 = arith.constant 0 : i32
        %dma_wait3A_637 = tpu.memref_slice %arg4[%add3A_625, %dma_wait3A_636] : memref<819200x128xf32, #tpu.memory_space<hbm>> -> memref<128x64xf32, #tpu.memory_space<hbm>>
        %dma_wait3A_638 = arith.constant 0 : i32
        %dma_wait3A_639 = arith.constant 0 : i32
        %dma_wait3A_640 = tpu.memref_slice %arg6[%dma_wait3A_626, %dma_wait3A_638, %dma_wait3A_639] : memref<8x128x64xf32, #tpu.memory_space<vmem>> -> memref<1x128x64xf32, #tpu.memory_space<vmem>>
        %dma_wait3A_641 = tpu.memref_squeeze %dma_wait3A_640 : memref<1x128x64xf32, #tpu.memory_space<vmem>> -> memref<128x64xf32, #tpu.memory_space<vmem>>
        tpu.wait_dma2 semaphore(%dma_wait3A_635 : memref<!tpu.dma_semaphore, #tpu.memory_space<semaphore_mem>>) src(%dma_wait3A_641 : memref<128x64xf32, #tpu.memory_space<vmem>>) dst(%dma_wait3A_637 : memref<128x64xf32, #tpu.memory_space<hbm>>)
      } else {
      }
      %lt3A_461 = arith.constant 200 : i32
      %lt3A_462 = arith.cmpi slt, %add3A_419, %lt3A_461 : i32
      %convert_element_type3A_463 = arith.extui %lt3A_462 : i1 to i32
      %cond3A_464 = arith.constant 0 : i32
      %cond3A_465 = arith.cmpi ne, %convert_element_type3A_463, %cond3A_464 : i32
      scf.if %cond3A_465 {
        %dma_start3A_622 = arith.constant 0 : i32
        %dma_start3A_623 = arith.constant 0 : i32
        %dma_start3A_624 = arith.constant 0 : i32
        %dma_start3A_625 = arith.constant 0 : i32
        %dma_start3A_626 = tpu.memref_slice %arg6[%dma_start3A_622, %dma_start3A_624, %dma_start3A_625] : memref<8x128x64xf32, #tpu.memory_space<vmem>> -> memref<1x128x64xf32, #tpu.memory_space<vmem>>
        %dma_start3A_627 = tpu.memref_squeeze %dma_start3A_626 : memref<1x128x64xf32, #tpu.memory_space<vmem>> -> memref<128x64xf32, #tpu.memory_space<vmem>>
        %dma_start3A_628 = arith.constant 0 : i32
        %dma_start3A_629 = tpu.memref_slice %arg5[%add3A_419, %dma_start3A_628] : memref<200x128xi32, #tpu.memory_space<vmem>> -> memref<1x128xi32, #tpu.memory_space<vmem>>
        %dma_start3A_630 = tpu.memref_squeeze %dma_start3A_629 : memref<1x128xi32, #tpu.memory_space<vmem>> -> memref<128xi32, #tpu.memory_space<vmem>>
        %dma_start3A_631 = arith.constant 0 : i32
        %dma_start3A_632 = arith.constant 0 : i32
        %dma_start3A_633 = tpu.memref_slice %arg3[%dma_start3A_631, %dma_start3A_632] : memref<1000000x64xf32, #tpu.memory_space<hbm>> -> memref<1000000x64xf32, #tpu.memory_space<hbm>>
        %dma_start3A_634 = tpu.memref_slice %arg7[%dma_start3A_623] : memref<8x!tpu.dma_semaphore, #tpu.memory_space<semaphore_mem>> -> memref<1x!tpu.dma_semaphore, #tpu.memory_space<semaphore_mem>>
        %dma_start3A_635 = tpu.memref_squeeze %dma_start3A_634 : memref<1x!tpu.dma_semaphore, #tpu.memory_space<semaphore_mem>> -> memref<!tpu.dma_semaphore, #tpu.memory_space<semaphore_mem>>
        tpu.enqueue_indirect_dma source(%dma_start3A_633 : memref<1000000x64xf32, #tpu.memory_space<hbm>>) target(%dma_start3A_627 : memref<128x64xf32, #tpu.memory_space<vmem>>) offsets(%dma_start3A_630 : memref<128xi32, #tpu.memory_space<vmem>>) semaphore(%dma_start3A_635 : memref<!tpu.dma_semaphore, #tpu.memory_space<semaphore_mem>>)
      } else {
      }
      %mul3A_466 = arith.constant 8 : i32
      %mul3A_467 = arith.muli %scan3A_210, %mul3A_466 : i32
      %add3A_468 = arith.constant 5 : i32
      %add3A_469 = arith.addi %mul3A_467, %add3A_468 : i32
      %add3A_470 = arith.constant 4 : i32
      %add3A_471 = arith.addi %add3A_469, %add3A_470 : i32
      %dma_wait3A_472 = arith.constant 5 : i32
      %dma_wait3A_473 = arith.constant 5 : i32
      %dma_wait3A_474 = arith.constant 0 : i32
      %dma_wait3A_475 = arith.constant 0 : i32
      %dma_wait3A_476 = tpu.memref_slice %arg6[%dma_wait3A_472, %dma_wait3A_474, %dma_wait3A_475] : memref<8x128x64xf32, #tpu.memory_space<vmem>> -> memref<1x128x64xf32, #tpu.memory_space<vmem>>
      %dma_wait3A_477 = tpu.memref_squeeze %dma_wait3A_476 : memref<1x128x64xf32, #tpu.memory_space<vmem>> -> memref<128x64xf32, #tpu.memory_space<vmem>>
      %dma_wait3A_478 = arith.constant 0 : i32
      %dma_wait3A_479 = tpu.memref_slice %arg5[%add3A_469, %dma_wait3A_478] : memref<200x128xi32, #tpu.memory_space<vmem>> -> memref<1x128xi32, #tpu.memory_space<vmem>>
      %dma_wait3A_480 = tpu.memref_squeeze %dma_wait3A_479 : memref<1x128xi32, #tpu.memory_space<vmem>> -> memref<128xi32, #tpu.memory_space<vmem>>
      %dma_wait3A_481 = arith.constant 0 : i32
      %dma_wait3A_482 = arith.constant 0 : i32
      %dma_wait3A_483 = tpu.memref_slice %arg3[%dma_wait3A_481, %dma_wait3A_482] : memref<1000000x64xf32, #tpu.memory_space<hbm>> -> memref<1000000x64xf32, #tpu.memory_space<hbm>>
      %dma_wait3A_484 = tpu.memref_slice %arg7[%dma_wait3A_473] : memref<8x!tpu.dma_semaphore, #tpu.memory_space<semaphore_mem>> -> memref<1x!tpu.dma_semaphore, #tpu.memory_space<semaphore_mem>>
      %dma_wait3A_485 = tpu.memref_squeeze %dma_wait3A_484 : memref<1x!tpu.dma_semaphore, #tpu.memory_space<semaphore_mem>> -> memref<!tpu.dma_semaphore, #tpu.memory_space<semaphore_mem>>
      tpu.wait_indirect_dma semaphore(%dma_wait3A_485 : memref<!tpu.dma_semaphore, #tpu.memory_space<semaphore_mem>>) src(%dma_wait3A_483 : memref<1000000x64xf32, #tpu.memory_space<hbm>>) dst(%dma_wait3A_477 : memref<128x64xf32, #tpu.memory_space<vmem>>)
      %mul3A_486 = arith.constant 128 : i32
      %mul3A_487 = arith.muli %add3A_469, %mul3A_486 : i32
      %add3A_488 = arith.addi %mul3A_2, %mul3A_487 : i32
      %dma_start3A_489 = arith.constant 5 : i32
      %dma_start3A_490 = arith.constant 5 : i32
      %dma_start3A_491 = arith.constant 0 : i32
      %dma_start3A_492 = arith.constant 0 : i32
      %dma_start3A_493 = tpu.memref_slice %arg6[%dma_start3A_489, %dma_start3A_491, %dma_start3A_492] : memref<8x128x64xf32, #tpu.memory_space<vmem>> -> memref<1x128x64xf32, #tpu.memory_space<vmem>>
      %dma_start3A_494 = tpu.memref_squeeze %dma_start3A_493 : memref<1x128x64xf32, #tpu.memory_space<vmem>> -> memref<128x64xf32, #tpu.memory_space<vmem>>
      %dma_start3A_495 = arith.constant 0 : i32
      %dma_start3A_496 = tpu.memref_slice %arg4[%add3A_488, %dma_start3A_495] : memref<819200x128xf32, #tpu.memory_space<hbm>> -> memref<128x64xf32, #tpu.memory_space<hbm>>
      %dma_start3A_497 = tpu.memref_slice %arg8[%dma_start3A_490] : memref<8x!tpu.dma_semaphore, #tpu.memory_space<semaphore_mem>> -> memref<1x!tpu.dma_semaphore, #tpu.memory_space<semaphore_mem>>
      %dma_start3A_498 = tpu.memref_squeeze %dma_start3A_497 : memref<1x!tpu.dma_semaphore, #tpu.memory_space<semaphore_mem>> -> memref<!tpu.dma_semaphore, #tpu.memory_space<semaphore_mem>>
      %dma_start3A_499 = arith.constant 0 : i32
      %dma_start3A_500 = tpu.memref_slice %arg4[%add3A_488, %dma_start3A_499] : memref<819200x128xf32, #tpu.memory_space<hbm>> -> memref<128x64xf32, #tpu.memory_space<hbm>>
      %dma_start3A_501 = arith.constant 0 : i32
      %dma_start3A_502 = arith.constant 0 : i32
      %dma_start3A_503 = tpu.memref_slice %arg6[%dma_start3A_489, %dma_start3A_501, %dma_start3A_502] : memref<8x128x64xf32, #tpu.memory_space<vmem>> -> memref<1x128x64xf32, #tpu.memory_space<vmem>>
      %dma_start3A_504 = tpu.memref_squeeze %dma_start3A_503 : memref<1x128x64xf32, #tpu.memory_space<vmem>> -> memref<128x64xf32, #tpu.memory_space<vmem>>
      tpu.enqueue_dma source(%dma_start3A_504 : memref<128x64xf32, #tpu.memory_space<vmem>>) target(%dma_start3A_500 : memref<128x64xf32, #tpu.memory_space<hbm>>) target_semaphore(%dma_start3A_498 : memref<!tpu.dma_semaphore, #tpu.memory_space<semaphore_mem>>)
      %ge3A_505 = arith.constant 8 : i32
      %ge3A_506 = arith.cmpi sge, %add3A_471, %ge3A_505 : i32
      %lt3A_507 = arith.constant 200 : i32
      %lt3A_508 = arith.cmpi slt, %add3A_471, %lt3A_507 : i32
      %and3A_509 = arith.andi %ge3A_506, %lt3A_508 : i1
      %convert_element_type3A_510 = arith.extui %and3A_509 : i1 to i32
      %cond3A_511 = arith.constant 0 : i32
      %cond3A_512 = arith.cmpi ne, %convert_element_type3A_510, %cond3A_511 : i32
      scf.if %cond3A_512 {
        %sub3A = arith.constant 8 : i32
        %sub3A_622 = arith.subi %add3A_471, %sub3A : i32
        %mul3A_623 = arith.constant 128 : i32
        %mul3A_624 = arith.muli %sub3A_622, %mul3A_623 : i32
        %add3A_625 = arith.addi %mul3A_2, %mul3A_624 : i32
        %dma_wait3A_626 = arith.constant 1 : i32
        %dma_wait3A_627 = arith.constant 1 : i32
        %dma_wait3A_628 = arith.constant 0 : i32
        %dma_wait3A_629 = arith.constant 0 : i32
        %dma_wait3A_630 = tpu.memref_slice %arg6[%dma_wait3A_626, %dma_wait3A_628, %dma_wait3A_629] : memref<8x128x64xf32, #tpu.memory_space<vmem>> -> memref<1x128x64xf32, #tpu.memory_space<vmem>>
        %dma_wait3A_631 = tpu.memref_squeeze %dma_wait3A_630 : memref<1x128x64xf32, #tpu.memory_space<vmem>> -> memref<128x64xf32, #tpu.memory_space<vmem>>
        %dma_wait3A_632 = arith.constant 0 : i32
        %dma_wait3A_633 = tpu.memref_slice %arg4[%add3A_625, %dma_wait3A_632] : memref<819200x128xf32, #tpu.memory_space<hbm>> -> memref<128x64xf32, #tpu.memory_space<hbm>>
        %dma_wait3A_634 = tpu.memref_slice %arg8[%dma_wait3A_627] : memref<8x!tpu.dma_semaphore, #tpu.memory_space<semaphore_mem>> -> memref<1x!tpu.dma_semaphore, #tpu.memory_space<semaphore_mem>>
        %dma_wait3A_635 = tpu.memref_squeeze %dma_wait3A_634 : memref<1x!tpu.dma_semaphore, #tpu.memory_space<semaphore_mem>> -> memref<!tpu.dma_semaphore, #tpu.memory_space<semaphore_mem>>
        %dma_wait3A_636 = arith.constant 0 : i32
        %dma_wait3A_637 = tpu.memref_slice %arg4[%add3A_625, %dma_wait3A_636] : memref<819200x128xf32, #tpu.memory_space<hbm>> -> memref<128x64xf32, #tpu.memory_space<hbm>>
        %dma_wait3A_638 = arith.constant 0 : i32
        %dma_wait3A_639 = arith.constant 0 : i32
        %dma_wait3A_640 = tpu.memref_slice %arg6[%dma_wait3A_626, %dma_wait3A_638, %dma_wait3A_639] : memref<8x128x64xf32, #tpu.memory_space<vmem>> -> memref<1x128x64xf32, #tpu.memory_space<vmem>>
        %dma_wait3A_641 = tpu.memref_squeeze %dma_wait3A_640 : memref<1x128x64xf32, #tpu.memory_space<vmem>> -> memref<128x64xf32, #tpu.memory_space<vmem>>
        tpu.wait_dma2 semaphore(%dma_wait3A_635 : memref<!tpu.dma_semaphore, #tpu.memory_space<semaphore_mem>>) src(%dma_wait3A_641 : memref<128x64xf32, #tpu.memory_space<vmem>>) dst(%dma_wait3A_637 : memref<128x64xf32, #tpu.memory_space<hbm>>)
      } else {
      }
      %lt3A_513 = arith.constant 200 : i32
      %lt3A_514 = arith.cmpi slt, %add3A_471, %lt3A_513 : i32
      %convert_element_type3A_515 = arith.extui %lt3A_514 : i1 to i32
      %cond3A_516 = arith.constant 0 : i32
      %cond3A_517 = arith.cmpi ne, %convert_element_type3A_515, %cond3A_516 : i32
      scf.if %cond3A_517 {
        %dma_start3A_622 = arith.constant 1 : i32
        %dma_start3A_623 = arith.constant 1 : i32
        %dma_start3A_624 = arith.constant 0 : i32
        %dma_start3A_625 = arith.constant 0 : i32
        %dma_start3A_626 = tpu.memref_slice %arg6[%dma_start3A_622, %dma_start3A_624, %dma_start3A_625] : memref<8x128x64xf32, #tpu.memory_space<vmem>> -> memref<1x128x64xf32, #tpu.memory_space<vmem>>
        %dma_start3A_627 = tpu.memref_squeeze %dma_start3A_626 : memref<1x128x64xf32, #tpu.memory_space<vmem>> -> memref<128x64xf32, #tpu.memory_space<vmem>>
        %dma_start3A_628 = arith.constant 0 : i32
        %dma_start3A_629 = tpu.memref_slice %arg5[%add3A_471, %dma_start3A_628] : memref<200x128xi32, #tpu.memory_space<vmem>> -> memref<1x128xi32, #tpu.memory_space<vmem>>
        %dma_start3A_630 = tpu.memref_squeeze %dma_start3A_629 : memref<1x128xi32, #tpu.memory_space<vmem>> -> memref<128xi32, #tpu.memory_space<vmem>>
        %dma_start3A_631 = arith.constant 0 : i32
        %dma_start3A_632 = arith.constant 0 : i32
        %dma_start3A_633 = tpu.memref_slice %arg3[%dma_start3A_631, %dma_start3A_632] : memref<1000000x64xf32, #tpu.memory_space<hbm>> -> memref<1000000x64xf32, #tpu.memory_space<hbm>>
        %dma_start3A_634 = tpu.memref_slice %arg7[%dma_start3A_623] : memref<8x!tpu.dma_semaphore, #tpu.memory_space<semaphore_mem>> -> memref<1x!tpu.dma_semaphore, #tpu.memory_space<semaphore_mem>>
        %dma_start3A_635 = tpu.memref_squeeze %dma_start3A_634 : memref<1x!tpu.dma_semaphore, #tpu.memory_space<semaphore_mem>> -> memref<!tpu.dma_semaphore, #tpu.memory_space<semaphore_mem>>
        tpu.enqueue_indirect_dma source(%dma_start3A_633 : memref<1000000x64xf32, #tpu.memory_space<hbm>>) target(%dma_start3A_627 : memref<128x64xf32, #tpu.memory_space<vmem>>) offsets(%dma_start3A_630 : memref<128xi32, #tpu.memory_space<vmem>>) semaphore(%dma_start3A_635 : memref<!tpu.dma_semaphore, #tpu.memory_space<semaphore_mem>>)
      } else {
      }
      %mul3A_518 = arith.constant 8 : i32
      %mul3A_519 = arith.muli %scan3A_210, %mul3A_518 : i32
      %add3A_520 = arith.constant 6 : i32
      %add3A_521 = arith.addi %mul3A_519, %add3A_520 : i32
      %add3A_522 = arith.constant 4 : i32
      %add3A_523 = arith.addi %add3A_521, %add3A_522 : i32
      %dma_wait3A_524 = arith.constant 6 : i32
      %dma_wait3A_525 = arith.constant 6 : i32
      %dma_wait3A_526 = arith.constant 0 : i32
      %dma_wait3A_527 = arith.constant 0 : i32
      %dma_wait3A_528 = tpu.memref_slice %arg6[%dma_wait3A_524, %dma_wait3A_526, %dma_wait3A_527] : memref<8x128x64xf32, #tpu.memory_space<vmem>> -> memref<1x128x64xf32, #tpu.memory_space<vmem>>
      %dma_wait3A_529 = tpu.memref_squeeze %dma_wait3A_528 : memref<1x128x64xf32, #tpu.memory_space<vmem>> -> memref<128x64xf32, #tpu.memory_space<vmem>>
      %dma_wait3A_530 = arith.constant 0 : i32
      %dma_wait3A_531 = tpu.memref_slice %arg5[%add3A_521, %dma_wait3A_530] : memref<200x128xi32, #tpu.memory_space<vmem>> -> memref<1x128xi32, #tpu.memory_space<vmem>>
      %dma_wait3A_532 = tpu.memref_squeeze %dma_wait3A_531 : memref<1x128xi32, #tpu.memory_space<vmem>> -> memref<128xi32, #tpu.memory_space<vmem>>
      %dma_wait3A_533 = arith.constant 0 : i32
      %dma_wait3A_534 = arith.constant 0 : i32
      %dma_wait3A_535 = tpu.memref_slice %arg3[%dma_wait3A_533, %dma_wait3A_534] : memref<1000000x64xf32, #tpu.memory_space<hbm>> -> memref<1000000x64xf32, #tpu.memory_space<hbm>>
      %dma_wait3A_536 = tpu.memref_slice %arg7[%dma_wait3A_525] : memref<8x!tpu.dma_semaphore, #tpu.memory_space<semaphore_mem>> -> memref<1x!tpu.dma_semaphore, #tpu.memory_space<semaphore_mem>>
      %dma_wait3A_537 = tpu.memref_squeeze %dma_wait3A_536 : memref<1x!tpu.dma_semaphore, #tpu.memory_space<semaphore_mem>> -> memref<!tpu.dma_semaphore, #tpu.memory_space<semaphore_mem>>
      tpu.wait_indirect_dma semaphore(%dma_wait3A_537 : memref<!tpu.dma_semaphore, #tpu.memory_space<semaphore_mem>>) src(%dma_wait3A_535 : memref<1000000x64xf32, #tpu.memory_space<hbm>>) dst(%dma_wait3A_529 : memref<128x64xf32, #tpu.memory_space<vmem>>)
      %mul3A_538 = arith.constant 128 : i32
      %mul3A_539 = arith.muli %add3A_521, %mul3A_538 : i32
      %add3A_540 = arith.addi %mul3A_2, %mul3A_539 : i32
      %dma_start3A_541 = arith.constant 6 : i32
      %dma_start3A_542 = arith.constant 6 : i32
      %dma_start3A_543 = arith.constant 0 : i32
      %dma_start3A_544 = arith.constant 0 : i32
      %dma_start3A_545 = tpu.memref_slice %arg6[%dma_start3A_541, %dma_start3A_543, %dma_start3A_544] : memref<8x128x64xf32, #tpu.memory_space<vmem>> -> memref<1x128x64xf32, #tpu.memory_space<vmem>>
      %dma_start3A_546 = tpu.memref_squeeze %dma_start3A_545 : memref<1x128x64xf32, #tpu.memory_space<vmem>> -> memref<128x64xf32, #tpu.memory_space<vmem>>
      %dma_start3A_547 = arith.constant 0 : i32
      %dma_start3A_548 = tpu.memref_slice %arg4[%add3A_540, %dma_start3A_547] : memref<819200x128xf32, #tpu.memory_space<hbm>> -> memref<128x64xf32, #tpu.memory_space<hbm>>
      %dma_start3A_549 = tpu.memref_slice %arg8[%dma_start3A_542] : memref<8x!tpu.dma_semaphore, #tpu.memory_space<semaphore_mem>> -> memref<1x!tpu.dma_semaphore, #tpu.memory_space<semaphore_mem>>
      %dma_start3A_550 = tpu.memref_squeeze %dma_start3A_549 : memref<1x!tpu.dma_semaphore, #tpu.memory_space<semaphore_mem>> -> memref<!tpu.dma_semaphore, #tpu.memory_space<semaphore_mem>>
      %dma_start3A_551 = arith.constant 0 : i32
      %dma_start3A_552 = tpu.memref_slice %arg4[%add3A_540, %dma_start3A_551] : memref<819200x128xf32, #tpu.memory_space<hbm>> -> memref<128x64xf32, #tpu.memory_space<hbm>>
      %dma_start3A_553 = arith.constant 0 : i32
      %dma_start3A_554 = arith.constant 0 : i32
      %dma_start3A_555 = tpu.memref_slice %arg6[%dma_start3A_541, %dma_start3A_553, %dma_start3A_554] : memref<8x128x64xf32, #tpu.memory_space<vmem>> -> memref<1x128x64xf32, #tpu.memory_space<vmem>>
      %dma_start3A_556 = tpu.memref_squeeze %dma_start3A_555 : memref<1x128x64xf32, #tpu.memory_space<vmem>> -> memref<128x64xf32, #tpu.memory_space<vmem>>
      tpu.enqueue_dma source(%dma_start3A_556 : memref<128x64xf32, #tpu.memory_space<vmem>>) target(%dma_start3A_552 : memref<128x64xf32, #tpu.memory_space<hbm>>) target_semaphore(%dma_start3A_550 : memref<!tpu.dma_semaphore, #tpu.memory_space<semaphore_mem>>)
      %ge3A_557 = arith.constant 8 : i32
      %ge3A_558 = arith.cmpi sge, %add3A_523, %ge3A_557 : i32
      %lt3A_559 = arith.constant 200 : i32
      %lt3A_560 = arith.cmpi slt, %add3A_523, %lt3A_559 : i32
      %and3A_561 = arith.andi %ge3A_558, %lt3A_560 : i1
      %convert_element_type3A_562 = arith.extui %and3A_561 : i1 to i32
      %cond3A_563 = arith.constant 0 : i32
      %cond3A_564 = arith.cmpi ne, %convert_element_type3A_562, %cond3A_563 : i32
      scf.if %cond3A_564 {
        %sub3A = arith.constant 8 : i32
        %sub3A_622 = arith.subi %add3A_523, %sub3A : i32
        %mul3A_623 = arith.constant 128 : i32
        %mul3A_624 = arith.muli %sub3A_622, %mul3A_623 : i32
        %add3A_625 = arith.addi %mul3A_2, %mul3A_624 : i32
        %dma_wait3A_626 = arith.constant 2 : i32
        %dma_wait3A_627 = arith.constant 2 : i32
        %dma_wait3A_628 = arith.constant 0 : i32
        %dma_wait3A_629 = arith.constant 0 : i32
        %dma_wait3A_630 = tpu.memref_slice %arg6[%dma_wait3A_626, %dma_wait3A_628, %dma_wait3A_629] : memref<8x128x64xf32, #tpu.memory_space<vmem>> -> memref<1x128x64xf32, #tpu.memory_space<vmem>>
        %dma_wait3A_631 = tpu.memref_squeeze %dma_wait3A_630 : memref<1x128x64xf32, #tpu.memory_space<vmem>> -> memref<128x64xf32, #tpu.memory_space<vmem>>
        %dma_wait3A_632 = arith.constant 0 : i32
        %dma_wait3A_633 = tpu.memref_slice %arg4[%add3A_625, %dma_wait3A_632] : memref<819200x128xf32, #tpu.memory_space<hbm>> -> memref<128x64xf32, #tpu.memory_space<hbm>>
        %dma_wait3A_634 = tpu.memref_slice %arg8[%dma_wait3A_627] : memref<8x!tpu.dma_semaphore, #tpu.memory_space<semaphore_mem>> -> memref<1x!tpu.dma_semaphore, #tpu.memory_space<semaphore_mem>>
        %dma_wait3A_635 = tpu.memref_squeeze %dma_wait3A_634 : memref<1x!tpu.dma_semaphore, #tpu.memory_space<semaphore_mem>> -> memref<!tpu.dma_semaphore, #tpu.memory_space<semaphore_mem>>
        %dma_wait3A_636 = arith.constant 0 : i32
        %dma_wait3A_637 = tpu.memref_slice %arg4[%add3A_625, %dma_wait3A_636] : memref<819200x128xf32, #tpu.memory_space<hbm>> -> memref<128x64xf32, #tpu.memory_space<hbm>>
        %dma_wait3A_638 = arith.constant 0 : i32
        %dma_wait3A_639 = arith.constant 0 : i32
        %dma_wait3A_640 = tpu.memref_slice %arg6[%dma_wait3A_626, %dma_wait3A_638, %dma_wait3A_639] : memref<8x128x64xf32, #tpu.memory_space<vmem>> -> memref<1x128x64xf32, #tpu.memory_space<vmem>>
        %dma_wait3A_641 = tpu.memref_squeeze %dma_wait3A_640 : memref<1x128x64xf32, #tpu.memory_space<vmem>> -> memref<128x64xf32, #tpu.memory_space<vmem>>
        tpu.wait_dma2 semaphore(%dma_wait3A_635 : memref<!tpu.dma_semaphore, #tpu.memory_space<semaphore_mem>>) src(%dma_wait3A_641 : memref<128x64xf32, #tpu.memory_space<vmem>>) dst(%dma_wait3A_637 : memref<128x64xf32, #tpu.memory_space<hbm>>)
      } else {
      }
      %lt3A_565 = arith.constant 200 : i32
      %lt3A_566 = arith.cmpi slt, %add3A_523, %lt3A_565 : i32
      %convert_element_type3A_567 = arith.extui %lt3A_566 : i1 to i32
      %cond3A_568 = arith.constant 0 : i32
      %cond3A_569 = arith.cmpi ne, %convert_element_type3A_567, %cond3A_568 : i32
      scf.if %cond3A_569 {
        %dma_start3A_622 = arith.constant 2 : i32
        %dma_start3A_623 = arith.constant 2 : i32
        %dma_start3A_624 = arith.constant 0 : i32
        %dma_start3A_625 = arith.constant 0 : i32
        %dma_start3A_626 = tpu.memref_slice %arg6[%dma_start3A_622, %dma_start3A_624, %dma_start3A_625] : memref<8x128x64xf32, #tpu.memory_space<vmem>> -> memref<1x128x64xf32, #tpu.memory_space<vmem>>
        %dma_start3A_627 = tpu.memref_squeeze %dma_start3A_626 : memref<1x128x64xf32, #tpu.memory_space<vmem>> -> memref<128x64xf32, #tpu.memory_space<vmem>>
        %dma_start3A_628 = arith.constant 0 : i32
        %dma_start3A_629 = tpu.memref_slice %arg5[%add3A_523, %dma_start3A_628] : memref<200x128xi32, #tpu.memory_space<vmem>> -> memref<1x128xi32, #tpu.memory_space<vmem>>
        %dma_start3A_630 = tpu.memref_squeeze %dma_start3A_629 : memref<1x128xi32, #tpu.memory_space<vmem>> -> memref<128xi32, #tpu.memory_space<vmem>>
        %dma_start3A_631 = arith.constant 0 : i32
        %dma_start3A_632 = arith.constant 0 : i32
        %dma_start3A_633 = tpu.memref_slice %arg3[%dma_start3A_631, %dma_start3A_632] : memref<1000000x64xf32, #tpu.memory_space<hbm>> -> memref<1000000x64xf32, #tpu.memory_space<hbm>>
        %dma_start3A_634 = tpu.memref_slice %arg7[%dma_start3A_623] : memref<8x!tpu.dma_semaphore, #tpu.memory_space<semaphore_mem>> -> memref<1x!tpu.dma_semaphore, #tpu.memory_space<semaphore_mem>>
        %dma_start3A_635 = tpu.memref_squeeze %dma_start3A_634 : memref<1x!tpu.dma_semaphore, #tpu.memory_space<semaphore_mem>> -> memref<!tpu.dma_semaphore, #tpu.memory_space<semaphore_mem>>
        tpu.enqueue_indirect_dma source(%dma_start3A_633 : memref<1000000x64xf32, #tpu.memory_space<hbm>>) target(%dma_start3A_627 : memref<128x64xf32, #tpu.memory_space<vmem>>) offsets(%dma_start3A_630 : memref<128xi32, #tpu.memory_space<vmem>>) semaphore(%dma_start3A_635 : memref<!tpu.dma_semaphore, #tpu.memory_space<semaphore_mem>>)
      } else {
      }
      %mul3A_570 = arith.constant 8 : i32
      %mul3A_571 = arith.muli %scan3A_210, %mul3A_570 : i32
      %add3A_572 = arith.constant 7 : i32
      %add3A_573 = arith.addi %mul3A_571, %add3A_572 : i32
      %add3A_574 = arith.constant 4 : i32
      %add3A_575 = arith.addi %add3A_573, %add3A_574 : i32
      %dma_wait3A_576 = arith.constant 7 : i32
      %dma_wait3A_577 = arith.constant 7 : i32
      %dma_wait3A_578 = arith.constant 0 : i32
      %dma_wait3A_579 = arith.constant 0 : i32
      %dma_wait3A_580 = tpu.memref_slice %arg6[%dma_wait3A_576, %dma_wait3A_578, %dma_wait3A_579] : memref<8x128x64xf32, #tpu.memory_space<vmem>> -> memref<1x128x64xf32, #tpu.memory_space<vmem>>
      %dma_wait3A_581 = tpu.memref_squeeze %dma_wait3A_580 : memref<1x128x64xf32, #tpu.memory_space<vmem>> -> memref<128x64xf32, #tpu.memory_space<vmem>>
      %dma_wait3A_582 = arith.constant 0 : i32
      %dma_wait3A_583 = tpu.memref_slice %arg5[%add3A_573, %dma_wait3A_582] : memref<200x128xi32, #tpu.memory_space<vmem>> -> memref<1x128xi32, #tpu.memory_space<vmem>>
      %dma_wait3A_584 = tpu.memref_squeeze %dma_wait3A_583 : memref<1x128xi32, #tpu.memory_space<vmem>> -> memref<128xi32, #tpu.memory_space<vmem>>
      %dma_wait3A_585 = arith.constant 0 : i32
      %dma_wait3A_586 = arith.constant 0 : i32
      %dma_wait3A_587 = tpu.memref_slice %arg3[%dma_wait3A_585, %dma_wait3A_586] : memref<1000000x64xf32, #tpu.memory_space<hbm>> -> memref<1000000x64xf32, #tpu.memory_space<hbm>>
      %dma_wait3A_588 = tpu.memref_slice %arg7[%dma_wait3A_577] : memref<8x!tpu.dma_semaphore, #tpu.memory_space<semaphore_mem>> -> memref<1x!tpu.dma_semaphore, #tpu.memory_space<semaphore_mem>>
      %dma_wait3A_589 = tpu.memref_squeeze %dma_wait3A_588 : memref<1x!tpu.dma_semaphore, #tpu.memory_space<semaphore_mem>> -> memref<!tpu.dma_semaphore, #tpu.memory_space<semaphore_mem>>
      tpu.wait_indirect_dma semaphore(%dma_wait3A_589 : memref<!tpu.dma_semaphore, #tpu.memory_space<semaphore_mem>>) src(%dma_wait3A_587 : memref<1000000x64xf32, #tpu.memory_space<hbm>>) dst(%dma_wait3A_581 : memref<128x64xf32, #tpu.memory_space<vmem>>)
      %mul3A_590 = arith.constant 128 : i32
      %mul3A_591 = arith.muli %add3A_573, %mul3A_590 : i32
      %add3A_592 = arith.addi %mul3A_2, %mul3A_591 : i32
      %dma_start3A_593 = arith.constant 7 : i32
      %dma_start3A_594 = arith.constant 7 : i32
      %dma_start3A_595 = arith.constant 0 : i32
      %dma_start3A_596 = arith.constant 0 : i32
      %dma_start3A_597 = tpu.memref_slice %arg6[%dma_start3A_593, %dma_start3A_595, %dma_start3A_596] : memref<8x128x64xf32, #tpu.memory_space<vmem>> -> memref<1x128x64xf32, #tpu.memory_space<vmem>>
      %dma_start3A_598 = tpu.memref_squeeze %dma_start3A_597 : memref<1x128x64xf32, #tpu.memory_space<vmem>> -> memref<128x64xf32, #tpu.memory_space<vmem>>
      %dma_start3A_599 = arith.constant 0 : i32
      %dma_start3A_600 = tpu.memref_slice %arg4[%add3A_592, %dma_start3A_599] : memref<819200x128xf32, #tpu.memory_space<hbm>> -> memref<128x64xf32, #tpu.memory_space<hbm>>
      %dma_start3A_601 = tpu.memref_slice %arg8[%dma_start3A_594] : memref<8x!tpu.dma_semaphore, #tpu.memory_space<semaphore_mem>> -> memref<1x!tpu.dma_semaphore, #tpu.memory_space<semaphore_mem>>
      %dma_start3A_602 = tpu.memref_squeeze %dma_start3A_601 : memref<1x!tpu.dma_semaphore, #tpu.memory_space<semaphore_mem>> -> memref<!tpu.dma_semaphore, #tpu.memory_space<semaphore_mem>>
      %dma_start3A_603 = arith.constant 0 : i32
      %dma_start3A_604 = tpu.memref_slice %arg4[%add3A_592, %dma_start3A_603] : memref<819200x128xf32, #tpu.memory_space<hbm>> -> memref<128x64xf32, #tpu.memory_space<hbm>>
      %dma_start3A_605 = arith.constant 0 : i32
      %dma_start3A_606 = arith.constant 0 : i32
      %dma_start3A_607 = tpu.memref_slice %arg6[%dma_start3A_593, %dma_start3A_605, %dma_start3A_606] : memref<8x128x64xf32, #tpu.memory_space<vmem>> -> memref<1x128x64xf32, #tpu.memory_space<vmem>>
      %dma_start3A_608 = tpu.memref_squeeze %dma_start3A_607 : memref<1x128x64xf32, #tpu.memory_space<vmem>> -> memref<128x64xf32, #tpu.memory_space<vmem>>
      tpu.enqueue_dma source(%dma_start3A_608 : memref<128x64xf32, #tpu.memory_space<vmem>>) target(%dma_start3A_604 : memref<128x64xf32, #tpu.memory_space<hbm>>) target_semaphore(%dma_start3A_602 : memref<!tpu.dma_semaphore, #tpu.memory_space<semaphore_mem>>)
      %ge3A_609 = arith.constant 8 : i32
      %ge3A_610 = arith.cmpi sge, %add3A_575, %ge3A_609 : i32
      %lt3A_611 = arith.constant 200 : i32
      %lt3A_612 = arith.cmpi slt, %add3A_575, %lt3A_611 : i32
      %and3A_613 = arith.andi %ge3A_610, %lt3A_612 : i1
      %convert_element_type3A_614 = arith.extui %and3A_613 : i1 to i32
      %cond3A_615 = arith.constant 0 : i32
      %cond3A_616 = arith.cmpi ne, %convert_element_type3A_614, %cond3A_615 : i32
      scf.if %cond3A_616 {
        %sub3A = arith.constant 8 : i32
        %sub3A_622 = arith.subi %add3A_575, %sub3A : i32
        %mul3A_623 = arith.constant 128 : i32
        %mul3A_624 = arith.muli %sub3A_622, %mul3A_623 : i32
        %add3A_625 = arith.addi %mul3A_2, %mul3A_624 : i32
        %dma_wait3A_626 = arith.constant 3 : i32
        %dma_wait3A_627 = arith.constant 3 : i32
        %dma_wait3A_628 = arith.constant 0 : i32
        %dma_wait3A_629 = arith.constant 0 : i32
        %dma_wait3A_630 = tpu.memref_slice %arg6[%dma_wait3A_626, %dma_wait3A_628, %dma_wait3A_629] : memref<8x128x64xf32, #tpu.memory_space<vmem>> -> memref<1x128x64xf32, #tpu.memory_space<vmem>>
        %dma_wait3A_631 = tpu.memref_squeeze %dma_wait3A_630 : memref<1x128x64xf32, #tpu.memory_space<vmem>> -> memref<128x64xf32, #tpu.memory_space<vmem>>
        %dma_wait3A_632 = arith.constant 0 : i32
        %dma_wait3A_633 = tpu.memref_slice %arg4[%add3A_625, %dma_wait3A_632] : memref<819200x128xf32, #tpu.memory_space<hbm>> -> memref<128x64xf32, #tpu.memory_space<hbm>>
        %dma_wait3A_634 = tpu.memref_slice %arg8[%dma_wait3A_627] : memref<8x!tpu.dma_semaphore, #tpu.memory_space<semaphore_mem>> -> memref<1x!tpu.dma_semaphore, #tpu.memory_space<semaphore_mem>>
        %dma_wait3A_635 = tpu.memref_squeeze %dma_wait3A_634 : memref<1x!tpu.dma_semaphore, #tpu.memory_space<semaphore_mem>> -> memref<!tpu.dma_semaphore, #tpu.memory_space<semaphore_mem>>
        %dma_wait3A_636 = arith.constant 0 : i32
        %dma_wait3A_637 = tpu.memref_slice %arg4[%add3A_625, %dma_wait3A_636] : memref<819200x128xf32, #tpu.memory_space<hbm>> -> memref<128x64xf32, #tpu.memory_space<hbm>>
        %dma_wait3A_638 = arith.constant 0 : i32
        %dma_wait3A_639 = arith.constant 0 : i32
        %dma_wait3A_640 = tpu.memref_slice %arg6[%dma_wait3A_626, %dma_wait3A_638, %dma_wait3A_639] : memref<8x128x64xf32, #tpu.memory_space<vmem>> -> memref<1x128x64xf32, #tpu.memory_space<vmem>>
        %dma_wait3A_641 = tpu.memref_squeeze %dma_wait3A_640 : memref<1x128x64xf32, #tpu.memory_space<vmem>> -> memref<128x64xf32, #tpu.memory_space<vmem>>
        tpu.wait_dma2 semaphore(%dma_wait3A_635 : memref<!tpu.dma_semaphore, #tpu.memory_space<semaphore_mem>>) src(%dma_wait3A_641 : memref<128x64xf32, #tpu.memory_space<vmem>>) dst(%dma_wait3A_637 : memref<128x64xf32, #tpu.memory_space<hbm>>)
      } else {
      }
      %lt3A_617 = arith.constant 200 : i32
      %lt3A_618 = arith.cmpi slt, %add3A_575, %lt3A_617 : i32
      %convert_element_type3A_619 = arith.extui %lt3A_618 : i1 to i32
      %cond3A_620 = arith.constant 0 : i32
      %cond3A_621 = arith.cmpi ne, %convert_element_type3A_619, %cond3A_620 : i32
      scf.if %cond3A_621 {
        %dma_start3A_622 = arith.constant 3 : i32
        %dma_start3A_623 = arith.constant 3 : i32
        %dma_start3A_624 = arith.constant 0 : i32
        %dma_start3A_625 = arith.constant 0 : i32
        %dma_start3A_626 = tpu.memref_slice %arg6[%dma_start3A_622, %dma_start3A_624, %dma_start3A_625] : memref<8x128x64xf32, #tpu.memory_space<vmem>> -> memref<1x128x64xf32, #tpu.memory_space<vmem>>
        %dma_start3A_627 = tpu.memref_squeeze %dma_start3A_626 : memref<1x128x64xf32, #tpu.memory_space<vmem>> -> memref<128x64xf32, #tpu.memory_space<vmem>>
        %dma_start3A_628 = arith.constant 0 : i32
        %dma_start3A_629 = tpu.memref_slice %arg5[%add3A_575, %dma_start3A_628] : memref<200x128xi32, #tpu.memory_space<vmem>> -> memref<1x128xi32, #tpu.memory_space<vmem>>
        %dma_start3A_630 = tpu.memref_squeeze %dma_start3A_629 : memref<1x128xi32, #tpu.memory_space<vmem>> -> memref<128xi32, #tpu.memory_space<vmem>>
        %dma_start3A_631 = arith.constant 0 : i32
        %dma_start3A_632 = arith.constant 0 : i32
        %dma_start3A_633 = tpu.memref_slice %arg3[%dma_start3A_631, %dma_start3A_632] : memref<1000000x64xf32, #tpu.memory_space<hbm>> -> memref<1000000x64xf32, #tpu.memory_space<hbm>>
        %dma_start3A_634 = tpu.memref_slice %arg7[%dma_start3A_623] : memref<8x!tpu.dma_semaphore, #tpu.memory_space<semaphore_mem>> -> memref<1x!tpu.dma_semaphore, #tpu.memory_space<semaphore_mem>>
        %dma_start3A_635 = tpu.memref_squeeze %dma_start3A_634 : memref<1x!tpu.dma_semaphore, #tpu.memory_space<semaphore_mem>> -> memref<!tpu.dma_semaphore, #tpu.memory_space<semaphore_mem>>
        tpu.enqueue_indirect_dma source(%dma_start3A_633 : memref<1000000x64xf32, #tpu.memory_space<hbm>>) target(%dma_start3A_627 : memref<128x64xf32, #tpu.memory_space<vmem>>) offsets(%dma_start3A_630 : memref<128xi32, #tpu.memory_space<vmem>>) semaphore(%dma_start3A_635 : memref<!tpu.dma_semaphore, #tpu.memory_space<semaphore_mem>>)
      } else {
      }
    }
    %scan3A_66 = arith.constant 25 : i32
    %add3A_67 = arith.constant 24576 : i32
    %add3A_68 = arith.addi %mul3A_2, %add3A_67 : i32
    %dma_wait3A = arith.constant 0 : i32
    %dma_wait3A_69 = arith.constant 0 : i32
    %dma_wait3A_70 = arith.constant 0 : i32
    %dma_wait3A_71 = arith.constant 0 : i32
    %dma_wait3A_72 = tpu.memref_slice %arg6[%dma_wait3A, %dma_wait3A_70, %dma_wait3A_71] : memref<8x128x64xf32, #tpu.memory_space<vmem>> -> memref<1x128x64xf32, #tpu.memory_space<vmem>>
    %dma_wait3A_73 = tpu.memref_squeeze %dma_wait3A_72 : memref<1x128x64xf32, #tpu.memory_space<vmem>> -> memref<128x64xf32, #tpu.memory_space<vmem>>
    %dma_wait3A_74 = arith.constant 0 : i32
    %dma_wait3A_75 = tpu.memref_slice %arg4[%add3A_68, %dma_wait3A_74] : memref<819200x128xf32, #tpu.memory_space<hbm>> -> memref<128x64xf32, #tpu.memory_space<hbm>>
    %dma_wait3A_76 = tpu.memref_slice %arg8[%dma_wait3A_69] : memref<8x!tpu.dma_semaphore, #tpu.memory_space<semaphore_mem>> -> memref<1x!tpu.dma_semaphore, #tpu.memory_space<semaphore_mem>>
    %dma_wait3A_77 = tpu.memref_squeeze %dma_wait3A_76 : memref<1x!tpu.dma_semaphore, #tpu.memory_space<semaphore_mem>> -> memref<!tpu.dma_semaphore, #tpu.memory_space<semaphore_mem>>
    %dma_wait3A_78 = arith.constant 0 : i32
    %dma_wait3A_79 = tpu.memref_slice %arg4[%add3A_68, %dma_wait3A_78] : memref<819200x128xf32, #tpu.memory_space<hbm>> -> memref<128x64xf32, #tpu.memory_space<hbm>>
    %dma_wait3A_80 = arith.constant 0 : i32
    %dma_wait3A_81 = arith.constant 0 : i32
    %dma_wait3A_82 = tpu.memref_slice %arg6[%dma_wait3A, %dma_wait3A_80, %dma_wait3A_81] : memref<8x128x64xf32, #tpu.memory_space<vmem>> -> memref<1x128x64xf32, #tpu.memory_space<vmem>>
    %dma_wait3A_83 = tpu.memref_squeeze %dma_wait3A_82 : memref<1x128x64xf32, #tpu.memory_space<vmem>> -> memref<128x64xf32, #tpu.memory_space<vmem>>
    tpu.wait_dma2 semaphore(%dma_wait3A_77 : memref<!tpu.dma_semaphore, #tpu.memory_space<semaphore_mem>>) src(%dma_wait3A_83 : memref<128x64xf32, #tpu.memory_space<vmem>>) dst(%dma_wait3A_79 : memref<128x64xf32, #tpu.memory_space<hbm>>)
    %add3A_84 = arith.constant 24704 : i32
    %add3A_85 = arith.addi %mul3A_2, %add3A_84 : i32
    %dma_wait3A_86 = arith.constant 1 : i32
    %dma_wait3A_87 = arith.constant 1 : i32
    %dma_wait3A_88 = arith.constant 0 : i32
    %dma_wait3A_89 = arith.constant 0 : i32
    %dma_wait3A_90 = tpu.memref_slice %arg6[%dma_wait3A_86, %dma_wait3A_88, %dma_wait3A_89] : memref<8x128x64xf32, #tpu.memory_space<vmem>> -> memref<1x128x64xf32, #tpu.memory_space<vmem>>
    %dma_wait3A_91 = tpu.memref_squeeze %dma_wait3A_90 : memref<1x128x64xf32, #tpu.memory_space<vmem>> -> memref<128x64xf32, #tpu.memory_space<vmem>>
    %dma_wait3A_92 = arith.constant 0 : i32
    %dma_wait3A_93 = tpu.memref_slice %arg4[%add3A_85, %dma_wait3A_92] : memref<819200x128xf32, #tpu.memory_space<hbm>> -> memref<128x64xf32, #tpu.memory_space<hbm>>
    %dma_wait3A_94 = tpu.memref_slice %arg8[%dma_wait3A_87] : memref<8x!tpu.dma_semaphore, #tpu.memory_space<semaphore_mem>> -> memref<1x!tpu.dma_semaphore, #tpu.memory_space<semaphore_mem>>
    %dma_wait3A_95 = tpu.memref_squeeze %dma_wait3A_94 : memref<1x!tpu.dma_semaphore, #tpu.memory_space<semaphore_mem>> -> memref<!tpu.dma_semaphore, #tpu.memory_space<semaphore_mem>>
    %dma_wait3A_96 = arith.constant 0 : i32
    %dma_wait3A_97 = tpu.memref_slice %arg4[%add3A_85, %dma_wait3A_96] : memref<819200x128xf32, #tpu.memory_space<hbm>> -> memref<128x64xf32, #tpu.memory_space<hbm>>
    %dma_wait3A_98 = arith.constant 0 : i32
    %dma_wait3A_99 = arith.constant 0 : i32
    %dma_wait3A_100 = tpu.memref_slice %arg6[%dma_wait3A_86, %dma_wait3A_98, %dma_wait3A_99] : memref<8x128x64xf32, #tpu.memory_space<vmem>> -> memref<1x128x64xf32, #tpu.memory_space<vmem>>
    %dma_wait3A_101 = tpu.memref_squeeze %dma_wait3A_100 : memref<1x128x64xf32, #tpu.memory_space<vmem>> -> memref<128x64xf32, #tpu.memory_space<vmem>>
    tpu.wait_dma2 semaphore(%dma_wait3A_95 : memref<!tpu.dma_semaphore, #tpu.memory_space<semaphore_mem>>) src(%dma_wait3A_101 : memref<128x64xf32, #tpu.memory_space<vmem>>) dst(%dma_wait3A_97 : memref<128x64xf32, #tpu.memory_space<hbm>>)
    %add3A_102 = arith.constant 24832 : i32
    %add3A_103 = arith.addi %mul3A_2, %add3A_102 : i32
    %dma_wait3A_104 = arith.constant 2 : i32
    %dma_wait3A_105 = arith.constant 2 : i32
    %dma_wait3A_106 = arith.constant 0 : i32
    %dma_wait3A_107 = arith.constant 0 : i32
    %dma_wait3A_108 = tpu.memref_slice %arg6[%dma_wait3A_104, %dma_wait3A_106, %dma_wait3A_107] : memref<8x128x64xf32, #tpu.memory_space<vmem>> -> memref<1x128x64xf32, #tpu.memory_space<vmem>>
    %dma_wait3A_109 = tpu.memref_squeeze %dma_wait3A_108 : memref<1x128x64xf32, #tpu.memory_space<vmem>> -> memref<128x64xf32, #tpu.memory_space<vmem>>
    %dma_wait3A_110 = arith.constant 0 : i32
    %dma_wait3A_111 = tpu.memref_slice %arg4[%add3A_103, %dma_wait3A_110] : memref<819200x128xf32, #tpu.memory_space<hbm>> -> memref<128x64xf32, #tpu.memory_space<hbm>>
    %dma_wait3A_112 = tpu.memref_slice %arg8[%dma_wait3A_105] : memref<8x!tpu.dma_semaphore, #tpu.memory_space<semaphore_mem>> -> memref<1x!tpu.dma_semaphore, #tpu.memory_space<semaphore_mem>>
    %dma_wait3A_113 = tpu.memref_squeeze %dma_wait3A_112 : memref<1x!tpu.dma_semaphore, #tpu.memory_space<semaphore_mem>> -> memref<!tpu.dma_semaphore, #tpu.memory_space<semaphore_mem>>
    %dma_wait3A_114 = arith.constant 0 : i32
    %dma_wait3A_115 = tpu.memref_slice %arg4[%add3A_103, %dma_wait3A_114] : memref<819200x128xf32, #tpu.memory_space<hbm>> -> memref<128x64xf32, #tpu.memory_space<hbm>>
    %dma_wait3A_116 = arith.constant 0 : i32
    %dma_wait3A_117 = arith.constant 0 : i32
    %dma_wait3A_118 = tpu.memref_slice %arg6[%dma_wait3A_104, %dma_wait3A_116, %dma_wait3A_117] : memref<8x128x64xf32, #tpu.memory_space<vmem>> -> memref<1x128x64xf32, #tpu.memory_space<vmem>>
    %dma_wait3A_119 = tpu.memref_squeeze %dma_wait3A_118 : memref<1x128x64xf32, #tpu.memory_space<vmem>> -> memref<128x64xf32, #tpu.memory_space<vmem>>
    tpu.wait_dma2 semaphore(%dma_wait3A_113 : memref<!tpu.dma_semaphore, #tpu.memory_space<semaphore_mem>>) src(%dma_wait3A_119 : memref<128x64xf32, #tpu.memory_space<vmem>>) dst(%dma_wait3A_115 : memref<128x64xf32, #tpu.memory_space<hbm>>)
    %add3A_120 = arith.constant 24960 : i32
    %add3A_121 = arith.addi %mul3A_2, %add3A_120 : i32
    %dma_wait3A_122 = arith.constant 3 : i32
    %dma_wait3A_123 = arith.constant 3 : i32
    %dma_wait3A_124 = arith.constant 0 : i32
    %dma_wait3A_125 = arith.constant 0 : i32
    %dma_wait3A_126 = tpu.memref_slice %arg6[%dma_wait3A_122, %dma_wait3A_124, %dma_wait3A_125] : memref<8x128x64xf32, #tpu.memory_space<vmem>> -> memref<1x128x64xf32, #tpu.memory_space<vmem>>
    %dma_wait3A_127 = tpu.memref_squeeze %dma_wait3A_126 : memref<1x128x64xf32, #tpu.memory_space<vmem>> -> memref<128x64xf32, #tpu.memory_space<vmem>>
    %dma_wait3A_128 = arith.constant 0 : i32
    %dma_wait3A_129 = tpu.memref_slice %arg4[%add3A_121, %dma_wait3A_128] : memref<819200x128xf32, #tpu.memory_space<hbm>> -> memref<128x64xf32, #tpu.memory_space<hbm>>
    %dma_wait3A_130 = tpu.memref_slice %arg8[%dma_wait3A_123] : memref<8x!tpu.dma_semaphore, #tpu.memory_space<semaphore_mem>> -> memref<1x!tpu.dma_semaphore, #tpu.memory_space<semaphore_mem>>
    %dma_wait3A_131 = tpu.memref_squeeze %dma_wait3A_130 : memref<1x!tpu.dma_semaphore, #tpu.memory_space<semaphore_mem>> -> memref<!tpu.dma_semaphore, #tpu.memory_space<semaphore_mem>>
    %dma_wait3A_132 = arith.constant 0 : i32
    %dma_wait3A_133 = tpu.memref_slice %arg4[%add3A_121, %dma_wait3A_132] : memref<819200x128xf32, #tpu.memory_space<hbm>> -> memref<128x64xf32, #tpu.memory_space<hbm>>
    %dma_wait3A_134 = arith.constant 0 : i32
    %dma_wait3A_135 = arith.constant 0 : i32
    %dma_wait3A_136 = tpu.memref_slice %arg6[%dma_wait3A_122, %dma_wait3A_134, %dma_wait3A_135] : memref<8x128x64xf32, #tpu.memory_space<vmem>> -> memref<1x128x64xf32, #tpu.memory_space<vmem>>
    %dma_wait3A_137 = tpu.memref_squeeze %dma_wait3A_136 : memref<1x128x64xf32, #tpu.memory_space<vmem>> -> memref<128x64xf32, #tpu.memory_space<vmem>>
    tpu.wait_dma2 semaphore(%dma_wait3A_131 : memref<!tpu.dma_semaphore, #tpu.memory_space<semaphore_mem>>) src(%dma_wait3A_137 : memref<128x64xf32, #tpu.memory_space<vmem>>) dst(%dma_wait3A_133 : memref<128x64xf32, #tpu.memory_space<hbm>>)
    %add3A_138 = arith.constant 25088 : i32
    %add3A_139 = arith.addi %mul3A_2, %add3A_138 : i32
    %dma_wait3A_140 = arith.constant 4 : i32
    %dma_wait3A_141 = arith.constant 4 : i32
    %dma_wait3A_142 = arith.constant 0 : i32
    %dma_wait3A_143 = arith.constant 0 : i32
    %dma_wait3A_144 = tpu.memref_slice %arg6[%dma_wait3A_140, %dma_wait3A_142, %dma_wait3A_143] : memref<8x128x64xf32, #tpu.memory_space<vmem>> -> memref<1x128x64xf32, #tpu.memory_space<vmem>>
    %dma_wait3A_145 = tpu.memref_squeeze %dma_wait3A_144 : memref<1x128x64xf32, #tpu.memory_space<vmem>> -> memref<128x64xf32, #tpu.memory_space<vmem>>
    %dma_wait3A_146 = arith.constant 0 : i32
    %dma_wait3A_147 = tpu.memref_slice %arg4[%add3A_139, %dma_wait3A_146] : memref<819200x128xf32, #tpu.memory_space<hbm>> -> memref<128x64xf32, #tpu.memory_space<hbm>>
    %dma_wait3A_148 = tpu.memref_slice %arg8[%dma_wait3A_141] : memref<8x!tpu.dma_semaphore, #tpu.memory_space<semaphore_mem>> -> memref<1x!tpu.dma_semaphore, #tpu.memory_space<semaphore_mem>>
    %dma_wait3A_149 = tpu.memref_squeeze %dma_wait3A_148 : memref<1x!tpu.dma_semaphore, #tpu.memory_space<semaphore_mem>> -> memref<!tpu.dma_semaphore, #tpu.memory_space<semaphore_mem>>
    %dma_wait3A_150 = arith.constant 0 : i32
    %dma_wait3A_151 = tpu.memref_slice %arg4[%add3A_139, %dma_wait3A_150] : memref<819200x128xf32, #tpu.memory_space<hbm>> -> memref<128x64xf32, #tpu.memory_space<hbm>>
    %dma_wait3A_152 = arith.constant 0 : i32
    %dma_wait3A_153 = arith.constant 0 : i32
    %dma_wait3A_154 = tpu.memref_slice %arg6[%dma_wait3A_140, %dma_wait3A_152, %dma_wait3A_153] : memref<8x128x64xf32, #tpu.memory_space<vmem>> -> memref<1x128x64xf32, #tpu.memory_space<vmem>>
    %dma_wait3A_155 = tpu.memref_squeeze %dma_wait3A_154 : memref<1x128x64xf32, #tpu.memory_space<vmem>> -> memref<128x64xf32, #tpu.memory_space<vmem>>
    tpu.wait_dma2 semaphore(%dma_wait3A_149 : memref<!tpu.dma_semaphore, #tpu.memory_space<semaphore_mem>>) src(%dma_wait3A_155 : memref<128x64xf32, #tpu.memory_space<vmem>>) dst(%dma_wait3A_151 : memref<128x64xf32, #tpu.memory_space<hbm>>)
    %add3A_156 = arith.constant 25216 : i32
    %add3A_157 = arith.addi %mul3A_2, %add3A_156 : i32
    %dma_wait3A_158 = arith.constant 5 : i32
    %dma_wait3A_159 = arith.constant 5 : i32
    %dma_wait3A_160 = arith.constant 0 : i32
    %dma_wait3A_161 = arith.constant 0 : i32
    %dma_wait3A_162 = tpu.memref_slice %arg6[%dma_wait3A_158, %dma_wait3A_160, %dma_wait3A_161] : memref<8x128x64xf32, #tpu.memory_space<vmem>> -> memref<1x128x64xf32, #tpu.memory_space<vmem>>
    %dma_wait3A_163 = tpu.memref_squeeze %dma_wait3A_162 : memref<1x128x64xf32, #tpu.memory_space<vmem>> -> memref<128x64xf32, #tpu.memory_space<vmem>>
    %dma_wait3A_164 = arith.constant 0 : i32
    %dma_wait3A_165 = tpu.memref_slice %arg4[%add3A_157, %dma_wait3A_164] : memref<819200x128xf32, #tpu.memory_space<hbm>> -> memref<128x64xf32, #tpu.memory_space<hbm>>
    %dma_wait3A_166 = tpu.memref_slice %arg8[%dma_wait3A_159] : memref<8x!tpu.dma_semaphore, #tpu.memory_space<semaphore_mem>> -> memref<1x!tpu.dma_semaphore, #tpu.memory_space<semaphore_mem>>
    %dma_wait3A_167 = tpu.memref_squeeze %dma_wait3A_166 : memref<1x!tpu.dma_semaphore, #tpu.memory_space<semaphore_mem>> -> memref<!tpu.dma_semaphore, #tpu.memory_space<semaphore_mem>>
    %dma_wait3A_168 = arith.constant 0 : i32
    %dma_wait3A_169 = tpu.memref_slice %arg4[%add3A_157, %dma_wait3A_168] : memref<819200x128xf32, #tpu.memory_space<hbm>> -> memref<128x64xf32, #tpu.memory_space<hbm>>
    %dma_wait3A_170 = arith.constant 0 : i32
    %dma_wait3A_171 = arith.constant 0 : i32
    %dma_wait3A_172 = tpu.memref_slice %arg6[%dma_wait3A_158, %dma_wait3A_170, %dma_wait3A_171] : memref<8x128x64xf32, #tpu.memory_space<vmem>> -> memref<1x128x64xf32, #tpu.memory_space<vmem>>
    %dma_wait3A_173 = tpu.memref_squeeze %dma_wait3A_172 : memref<1x128x64xf32, #tpu.memory_space<vmem>> -> memref<128x64xf32, #tpu.memory_space<vmem>>
    tpu.wait_dma2 semaphore(%dma_wait3A_167 : memref<!tpu.dma_semaphore, #tpu.memory_space<semaphore_mem>>) src(%dma_wait3A_173 : memref<128x64xf32, #tpu.memory_space<vmem>>) dst(%dma_wait3A_169 : memref<128x64xf32, #tpu.memory_space<hbm>>)
    %add3A_174 = arith.constant 25344 : i32
    %add3A_175 = arith.addi %mul3A_2, %add3A_174 : i32
    %dma_wait3A_176 = arith.constant 6 : i32
    %dma_wait3A_177 = arith.constant 6 : i32
    %dma_wait3A_178 = arith.constant 0 : i32
    %dma_wait3A_179 = arith.constant 0 : i32
    %dma_wait3A_180 = tpu.memref_slice %arg6[%dma_wait3A_176, %dma_wait3A_178, %dma_wait3A_179] : memref<8x128x64xf32, #tpu.memory_space<vmem>> -> memref<1x128x64xf32, #tpu.memory_space<vmem>>
    %dma_wait3A_181 = tpu.memref_squeeze %dma_wait3A_180 : memref<1x128x64xf32, #tpu.memory_space<vmem>> -> memref<128x64xf32, #tpu.memory_space<vmem>>
    %dma_wait3A_182 = arith.constant 0 : i32
    %dma_wait3A_183 = tpu.memref_slice %arg4[%add3A_175, %dma_wait3A_182] : memref<819200x128xf32, #tpu.memory_space<hbm>> -> memref<128x64xf32, #tpu.memory_space<hbm>>
    %dma_wait3A_184 = tpu.memref_slice %arg8[%dma_wait3A_177] : memref<8x!tpu.dma_semaphore, #tpu.memory_space<semaphore_mem>> -> memref<1x!tpu.dma_semaphore, #tpu.memory_space<semaphore_mem>>
    %dma_wait3A_185 = tpu.memref_squeeze %dma_wait3A_184 : memref<1x!tpu.dma_semaphore, #tpu.memory_space<semaphore_mem>> -> memref<!tpu.dma_semaphore, #tpu.memory_space<semaphore_mem>>
    %dma_wait3A_186 = arith.constant 0 : i32
    %dma_wait3A_187 = tpu.memref_slice %arg4[%add3A_175, %dma_wait3A_186] : memref<819200x128xf32, #tpu.memory_space<hbm>> -> memref<128x64xf32, #tpu.memory_space<hbm>>
    %dma_wait3A_188 = arith.constant 0 : i32
    %dma_wait3A_189 = arith.constant 0 : i32
    %dma_wait3A_190 = tpu.memref_slice %arg6[%dma_wait3A_176, %dma_wait3A_188, %dma_wait3A_189] : memref<8x128x64xf32, #tpu.memory_space<vmem>> -> memref<1x128x64xf32, #tpu.memory_space<vmem>>
    %dma_wait3A_191 = tpu.memref_squeeze %dma_wait3A_190 : memref<1x128x64xf32, #tpu.memory_space<vmem>> -> memref<128x64xf32, #tpu.memory_space<vmem>>
    tpu.wait_dma2 semaphore(%dma_wait3A_185 : memref<!tpu.dma_semaphore, #tpu.memory_space<semaphore_mem>>) src(%dma_wait3A_191 : memref<128x64xf32, #tpu.memory_space<vmem>>) dst(%dma_wait3A_187 : memref<128x64xf32, #tpu.memory_space<hbm>>)
    %add3A_192 = arith.constant 25472 : i32
    %add3A_193 = arith.addi %mul3A_2, %add3A_192 : i32
    %dma_wait3A_194 = arith.constant 7 : i32
    %dma_wait3A_195 = arith.constant 7 : i32
    %dma_wait3A_196 = arith.constant 0 : i32
    %dma_wait3A_197 = arith.constant 0 : i32
    %dma_wait3A_198 = tpu.memref_slice %arg6[%dma_wait3A_194, %dma_wait3A_196, %dma_wait3A_197] : memref<8x128x64xf32, #tpu.memory_space<vmem>> -> memref<1x128x64xf32, #tpu.memory_space<vmem>>
    %dma_wait3A_199 = tpu.memref_squeeze %dma_wait3A_198 : memref<1x128x64xf32, #tpu.memory_space<vmem>> -> memref<128x64xf32, #tpu.memory_space<vmem>>
    %dma_wait3A_200 = arith.constant 0 : i32
    %dma_wait3A_201 = tpu.memref_slice %arg4[%add3A_193, %dma_wait3A_200] : memref<819200x128xf32, #tpu.memory_space<hbm>> -> memref<128x64xf32, #tpu.memory_space<hbm>>
    %dma_wait3A_202 = tpu.memref_slice %arg8[%dma_wait3A_195] : memref<8x!tpu.dma_semaphore, #tpu.memory_space<semaphore_mem>> -> memref<1x!tpu.dma_semaphore, #tpu.memory_space<semaphore_mem>>
    %dma_wait3A_203 = tpu.memref_squeeze %dma_wait3A_202 : memref<1x!tpu.dma_semaphore, #tpu.memory_space<semaphore_mem>> -> memref<!tpu.dma_semaphore, #tpu.memory_space<semaphore_mem>>
    %dma_wait3A_204 = arith.constant 0 : i32
    %dma_wait3A_205 = tpu.memref_slice %arg4[%add3A_193, %dma_wait3A_204] : memref<819200x128xf32, #tpu.memory_space<hbm>> -> memref<128x64xf32, #tpu.memory_space<hbm>>
    %dma_wait3A_206 = arith.constant 0 : i32
    %dma_wait3A_207 = arith.constant 0 : i32
    %dma_wait3A_208 = tpu.memref_slice %arg6[%dma_wait3A_194, %dma_wait3A_206, %dma_wait3A_207] : memref<8x128x64xf32, #tpu.memory_space<vmem>> -> memref<1x128x64xf32, #tpu.memory_space<vmem>>
    %dma_wait3A_209 = tpu.memref_squeeze %dma_wait3A_208 : memref<1x128x64xf32, #tpu.memory_space<vmem>> -> memref<128x64xf32, #tpu.memory_space<vmem>>
    tpu.wait_dma2 semaphore(%dma_wait3A_203 : memref<!tpu.dma_semaphore, #tpu.memory_space<semaphore_mem>>) src(%dma_wait3A_209 : memref<128x64xf32, #tpu.memory_space<vmem>>) dst(%dma_wait3A_205 : memref<128x64xf32, #tpu.memory_space<hbm>>)
    return
  }
}

module attributes {stable_mosaic.version = 14 : i64} {
  func.func @repack(%arg0: i32, %arg1: memref<64x7936xf32, #tpu.memory_space<vmem>>, %arg2: memref<64x7936xf32, #tpu.memory_space<vmem>>, %arg3: memref<7936x128xf32, #tpu.memory_space<vmem>>) attributes {dimension_semantics = [#tpu.dimension_semantics<arbitrary>], iteration_bounds = array<i64: 64>, scalar_prefetch = 0 : i64, scratch_operands = 0 : i64, tpu.core_type = #tpu.core_type<tc>, window_params = [{transform_indices = @transform_0, window_bounds = array<i64: 64, 7936>}, {transform_indices = @transform_1, window_bounds = array<i64: 64, 7936>}, {transform_indices = @transform_2, window_bounds = array<i64: 7936, 128>}]} {
    %lt3A = arith.constant 63 : i32
    %lt3A_0 = arith.cmpi slt, %arg0, %lt3A : i32
    %convert_element_type3A = arith.extui %lt3A_0 : i1 to i32
    %cond3A = arith.constant 0 : i32
    %cond3A_1 = arith.cmpi ne, %convert_element_type3A, %cond3A : i32
    scf.if %cond3A_1 {
      %get3A = arith.constant 0 : index
      %get3A_6 = arith.constant 0 : index
      %get3A_7 = vector.load %arg1[%get3A, %get3A_6] : memref<64x7936xf32, #tpu.memory_space<vmem>>, vector<64x7936xf32>
      %transpose3A = tpu.transpose %get3A_7, [1, 0] : vector<64x7936xf32> -> vector<7936x64xf32>
      %swap3A = arith.constant 0 : index
      %swap3A_8 = arith.constant 0 : index
      %swap3A_9 = vector.load %arg3[%swap3A, %swap3A_8] : memref<7936x128xf32, #tpu.memory_space<vmem>>, vector<7936x64xf32>
      tpu.vector_store %arg3[%swap3A, %swap3A_8], %transpose3A {strides = array<i32>} : memref<7936x128xf32, #tpu.memory_space<vmem>>, vector<7936x64xf32>,
      %get3A_10 = arith.constant 0 : index
      %get3A_11 = arith.constant 0 : index
      %get3A_12 = vector.load %arg2[%get3A_10, %get3A_11] : memref<64x7936xf32, #tpu.memory_space<vmem>>, vector<64x7936xf32>
      %transpose3A_13 = tpu.transpose %get3A_12, [1, 0] : vector<64x7936xf32> -> vector<7936x64xf32>
      %swap3A_14 = arith.constant 0 : index
      %swap3A_15 = arith.constant 64 : index
      %swap3A_16 = vector.load %arg3[%swap3A_14, %swap3A_15] : memref<7936x128xf32, #tpu.memory_space<vmem>>, vector<7936x64xf32>
      tpu.vector_store %arg3[%swap3A_14, %swap3A_15], %transpose3A_13 {strides = array<i32>} : memref<7936x128xf32, #tpu.memory_space<vmem>>, vector<7936x64xf32>,
    } else {
    }
    %eq3A = arith.constant 63 : i32
    %eq3A_2 = arith.cmpi eq, %arg0, %eq3A : i32
    %convert_element_type3A_3 = arith.extui %eq3A_2 : i1 to i32
    %cond3A_4 = arith.constant 0 : i32
    %cond3A_5 = arith.cmpi ne, %convert_element_type3A_3, %cond3A_4 : i32
    scf.if %cond3A_5 {
      %get3A = arith.constant 0 : index
      %get3A_6 = arith.constant 0 : index
      %get3A_7 = vector.load %arg2[%get3A, %get3A_6] : memref<64x7936xf32, #tpu.memory_space<vmem>>, vector<64x32xf32>
      %transpose3A = tpu.transpose %get3A_7, [1, 0] : vector<64x32xf32> -> vector<32x64xf32>
      %swap3A = arith.constant 0 : index
      %swap3A_8 = arith.constant 0 : index
      %swap3A_9 = vector.load %arg3[%swap3A, %swap3A_8] : memref<7936x128xf32, #tpu.memory_space<vmem>>, vector<32x64xf32>
      tpu.vector_store %arg3[%swap3A, %swap3A_8], %transpose3A {strides = array<i32>} : memref<7936x128xf32, #tpu.memory_space<vmem>>, vector<32x64xf32>,
      %get3A_10 = arith.constant 0 : index
      %get3A_11 = arith.constant 32 : index
      %get3A_12 = vector.load %arg2[%get3A_10, %get3A_11] : memref<64x7936xf32, #tpu.memory_space<vmem>>, vector<64x32xf32>
      %transpose3A_13 = tpu.transpose %get3A_12, [1, 0] : vector<64x32xf32> -> vector<32x64xf32>
      %swap3A_14 = arith.constant 0 : index
      %swap3A_15 = arith.constant 64 : index
      %swap3A_16 = vector.load %arg3[%swap3A_14, %swap3A_15] : memref<7936x128xf32, #tpu.memory_space<vmem>>, vector<32x64xf32>
      tpu.vector_store %arg3[%swap3A_14, %swap3A_15], %transpose3A_13 {strides = array<i32>} : memref<7936x128xf32, #tpu.memory_space<vmem>>, vector<32x64xf32>,
    } else {
    }
    return
  }
  func.func @transform_0(%arg0: i32) -> (i32, i32) {
    %c0_i32 = arith.constant 0 : i32
    %c0_i32_0 = arith.constant 0 : i32
    return %c0_i32, %arg0 : i32, i32
  }
  func.func @transform_1(%arg0: i32) -> (i32, i32) {
    %add3A = arith.constant 63 : i32
    %add3A_0 = arith.addi %arg0, %add3A : i32
    %c0_i32 = arith.constant 0 : i32
    %c0_i32_1 = arith.constant 0 : i32
    return %c0_i32, %add3A_0 : i32, i32
  }
  func.func @transform_2(%arg0: i32) -> (i32, i32) {
    %c0_i32 = arith.constant 0 : i32
    %c0_i32_0 = arith.constant 0 : i32
    return %arg0, %c0_i32 : i32, i32
  }
}

</mosaic_0001>

<sc_bundles>
// kernel: kernel.4.cloned.1.call-start
scs
__scs_entry_jumppad:
0x0: {  	(pc) =	sbr.rel $0x88, $3  }
0x1: {  	(tag) =	ssettag $0x0;
	lr =	simm.s32 $0x1  }
0x2: {  	[smem:$0x3F9F] =	sst lr;
	_ =	strace $0xD0000000  }
0x3: {  	_ = 	snop  }
0x4: {  	_ = 	snop  }
0x5: {  	_ = 	snop  }
0x6: {  	_ = 	snop  }
0x7: {  	_ = 	snop  }
__scs_overlays_trampoline_lowered:
0x8: {  	[smem:$0x3FAE] =	sst s0  }
0x9: {  	[smem:$0x3FAF] =	sst s1  }
0xa: {  	[smem:$0x3FB0] =	sst s2  }
0xb: {  	[smem:$0x3FB1] =	sst s3  }
0xc: {  	[smem:$0x3FB2] =	sst s4  }
0xd: {  	[smem:$0x3FB3] =	sst s5  }
0xe: {  	[smem:$0x3FB4] =	sst s6  }
0xf: {  	[smem:$0x3FB5] =	sst s7  }
0x10: {  	[smem:$0x3FB6] =	sst s8  }
0x11: {  	[smem:$0x3FB7] =	sst s9;
	s0 =	simm.s32 @!p0 $0x0  }
0x12: {  	s1 =	sld [smem:$0x3F9D];
	s0 =	simm.s32 @p0 $0x1  }
0x13: {  	[smem:$0x3FB8] =	sst s0;
	s0 =	simm.s32 @!p1 $0x0  }
0x14: {  	s2 =	sld [smem:$0x3F9C];
	s0 =	simm.s32 @p1 $0x1  }
0x15: {  	[smem:$0x3FB9] =	sst s0;
	s0 =	simm.s32 @!p2 $0x0  }
0x16: {  	s3 =	sld [smem:$0x3FDB];
	s0 =	simm.s32 @p2 $0x1  }
0x17: {  	s4 =	simm.s32 $0x1BF5;
	[smem:$0x3FBB] =	sst s0  }
0x18: {  	s0 =	sld [smem:$0x3F9E];
	_ =	swait.ge [sflag:s4], $0x0  }
0x19: {  	s7 =	sld [smem:$0x3F9F]  }
0x1a: {  	s8 =	sadd.s32 $0xFFFFE003, lr  }
0x1b: {  	s9 =	sadd.s32 $0xFFFFFEF7, lr;
	s5 =	simm.s32 $0xFFFFFFFF;
	p2 =	slt.u32 s8, $0xFFFFF086  }
0x1c: {  	p1 =	slt.u32 s9, $0xF7A;
	s5 =	simm.s32 @!p2 $0x0  }
0x1d: {  	s5 =	simm.s32 @p1 $0x1;
	p0 =	seq.s32 s7, s2  }
0x1e: {  	s7 =	smul.u32 @!p0 $0xF7A, s2;
	p2 =	seq.s32 @!p0 s5, $0x0  }
0x1f: {  	s9 =	smul.u32 $0xF7A, s1;
	s8 =	simm.s32 @!p0 $0x1BF5;
	p2 =	por !p2, p0  }
0x20: {  	[sflag:s8] =	ssyncset.s32 @!p0 $0xFFFFF086;
	s6 =	sadd.s32 @!p0 s3, s7;
	s7 =	simm.s32 @!p0 $0x108  }
0x21: {  	s3 =	sadd.s32 s3, s9;
	s6 =	sadd.s32 @!p0 $0x88, s6;
	s7 =	simm.s32 @p2 $0x1082  }
0x22: {  	[simem:s7], [sflag:s8] =	dma.local @!p0 [hbm:s6], $0xF7A  }
0x23: {  	s9 =	sor.u32 $0xD0000000, s2;
	s6 =	simm.s32 $0x108;
	_ =	swait.ge @!p0 [sflag:s8], $0x0  }
0x24: {  	s3 =	sadd.s32 $0x88, s3;
	s6 =	simm.s32 @!p1 $0x1082;
	[sflag:s4] =	ssyncset.s32 $0xFFFFF086  }
0x25: {  	[simem:s6], [sflag:s4] =	dma.local [hbm:s3], $0xF7A  }
0x26: {  	[smem:$0x3F9F] =	sst s1;
	(tag) =	ssettag s2;
	_ =	strace s9  }
0x27: {  	s1 =	sld [smem:$0x3FAF]  }
0x28: {  	s2 =	sld [smem:$0x3FB0]  }
0x29: {  	s4 =	sld [smem:$0x3FB2]  }
0x2a: {  	p0 =	seq.s32 s5, $0x0;
	s5 =	sld [smem:$0x3FB3]  }
0x2b: {  	s6 =	sld [smem:$0x3FB4]  }
0x2c: {  	s7 =	sld [smem:$0x3FB5]  }
0x2d: {  	s3 =	simm.s32 $0x108;
	s8 =	sld [smem:$0x3FB6]  }
0x2e: {  	s3 =	simm.s32 @!p0 $0x1082;
	s9 =	sld [smem:$0x3FB7]  }
0x2f: {  	lr =	sadd.s32 s0, s3;
	s0 =	sld [smem:$0x3FAE]  }
0x30: {  	s3 =	sld [smem:$0x3FB1]  }
0x31: {  	[smem:$0x3FBA] =	sst s10  }
0x32: {  	s10 =	sld [smem:$0x3FB8];
	_ =	sdelay $0x3  }
0x33: {  	p0 =	seq.s32 s10, $0x1;
	s10 =	sld [smem:$0x3FBA];
	_ =	sdelay $0x3  }
0x34: {  	[smem:$0x3FBA] =	sst s10  }
0x35: {  	s10 =	sld [smem:$0x3FB9];
	_ =	sdelay $0x3  }
0x36: {  	p1 =	seq.s32 s10, $0x1;
	s10 =	sld [smem:$0x3FBA];
	_ =	sdelay $0x3  }
0x37: {  	[smem:$0x3FBA] =	sst s10  }
0x38: {  	s10 =	sld [smem:$0x3FBB]  }
0x39: {  	_ = 	snop;
	(pc) =	sbr.ind lr, $3  }
0x3a: {  	_ = 	snop  }
0x3b: {  	_ = 	snop  }
0x3c: {  	p2 =	seq.s32 s10, $0x1;
	s10 =	sld [smem:$0x3FBA]  }
0x3d: {  	_ =	shalt  }
0x3e: {  	_ =	shalt  }
0x3f: {  	_ =	shalt  }
0x40: {  	_ =	shalt  }
0x41: {  	_ =	shalt  }
0x42: {  	_ =	shalt  }
0x43: {  	_ =	shalt  }
0x44: {  	_ =	shalt  }
0x45: {  	_ =	shalt  }
0x46: {  	_ =	shalt  }
0x47: {  	_ =	shalt  }
0x48: {  	_ =	shalt  }
0x49: {  	_ =	shalt  }
0x4a: {  	_ =	shalt  }
0x4b: {  	_ =	shalt  }
0x4c: {  	_ =	shalt  }
0x4d: {  	_ =	shalt  }
0x4e: {  	_ =	shalt  }
0x4f: {  	_ =	shalt  }
0x50: {  	_ =	shalt  }
0x51: {  	_ =	shalt  }
0x52: {  	_ =	shalt  }
0x53: {  	_ =	shalt  }
0x54: {  	_ =	shalt  }
0x55: {  	_ =	shalt  }
0x56: {  	_ =	shalt  }
0x57: {  	_ =	shalt  }
0x58: {  	_ =	shalt  }
0x59: {  	_ =	shalt  }
0x5a: {  	_ =	shalt  }
0x5b: {  	_ =	shalt  }
0x5c: {  	_ =	shalt  }
0x5d: {  	_ =	shalt  }
0x5e: {  	_ =	shalt  }
0x5f: {  	_ =	shalt  }
0x60: {  	_ =	shalt  }
0x61: {  	_ =	shalt  }
0x62: {  	_ =	shalt  }
0x63: {  	_ =	shalt  }
0x64: {  	_ =	shalt  }
0x65: {  	_ =	shalt  }
0x66: {  	_ =	shalt  }
0x67: {  	_ =	shalt  }
0x68: {  	_ =	shalt  }
0x69: {  	_ =	shalt  }
0x6a: {  	_ =	shalt  }
0x6b: {  	_ =	shalt  }
0x6c: {  	_ =	shalt  }
0x6d: {  	_ =	shalt  }
0x6e: {  	_ =	shalt  }
0x6f: {  	_ =	shalt  }
0x70: {  	_ =	shalt  }
0x71: {  	_ =	shalt  }
0x72: {  	_ =	shalt  }
0x73: {  	_ =	shalt  }
0x74: {  	_ =	shalt  }
0x75: {  	_ =	shalt  }
0x76: {  	_ =	shalt  }
0x77: {  	_ =	shalt  }
0x78: {  	_ =	shalt  }
0x79: {  	_ =	shalt  }
0x7a: {  	_ =	shalt  }
0x7b: {  	_ =	shalt  }
0x7c: {  	_ =	shalt  }
0x7d: {  	_ =	shalt  }
0x7e: {  	_ =	shalt  }
0x7f: {  	_ =	shalt  }
0x80: {  	_ =	shalt  }
0x81: {  	_ =	shalt  }
0x82: {  	_ =	shalt  }
0x83: {  	_ =	shalt  }
0x84: {  	_ =	shalt  }
0x85: {  	_ =	shalt  }
0x86: {  	_ =	shalt  }
0x87: {  	_ =	shalt  }
.Lfunc_end0:
.L_simem_size_0:
called_computation.1_lowered:
.L_overlay_start_0:
0x88: {  	s2 =	sld [smem:$0x3FD9]  }
0x89: {  	s3 =	sld [smem:$0x3FFE];
	_ =	sdelay $0x1  }
0x8a: {  	s1 =	srdreg.scid  }
0x8b: {  	s0 =	sand.u32 $0x1, s1  }
0x8c: {  	s17 =	sshll.u32 s0, $0xA;
	s2 =	sadd.s32 s3, s2  }
0x8d: {  	s2 =	sadd.s32 s2, s17  }
0x8e: {  	[smem:$0x3FC6] =	sst s2  }
0x8f: {  	_ = 	snop  }
0x90: {  	s2 =	sld [smem:$0x3FD0];
	(tm) =	ssettm $0x1  }
0x91: {  	s18 =	sld [smem:$0x3FFB];
	_ =	sdelay $0x3  }
0x92: {  	_ =	strace s18  }
0x93: {  	s3 =	sld [smem:$0x3FFC];
	_ =	sdelay $0x3  }
0x94: {  	_ =	strace s3  }
0x95: {  	s3 =	sld [smem:$0x3FFD];
	_ =	sdelay $0x3  }
0x96: {  	_ =	strace s3  }
0x97: {  	_ =	strace $0x8FFFFFFF  }
0x98: {  	s19 =	sld [smem:$0x3FDB];
	_ =	sdelay $0x1  }
0x99: {  	s4 =	simm.s32 $_scs_section_size  }
0x9a: {  	s5 =	simm.s32 $_size__tile_overlayer_lowered;
	s6 =	simm.s32 $_tile_overlayer_lowered  }
0x9b: {  	s22 =	simm.s32 $0x1BFF;
	s21 =	sshll.u32 s6, $0x1;
	s3 =	sadd.s32 s4, s19  }
0x9c: {  	s7 =	simm.s32 $0x0;
	s20 =	sshll.u32 s5, $0x1;
	s5 =	sadd.s32 s21, s3  }
0x9d: {  	[timem:s7], [sflag:s22] =	dma.local [hbm:s5], s20  }
0x9e: {  	_ =	swait.ge [sflag:s22], s20  }
0x9f: {  	s4 =	ssub.s32 $0x0, s20;
	[sflag:s22] =	ssyncset.done $0x0  }
0xa0: {  	[sflag:s22] =	ssyncadd.s32 s4;
	_ =	sdelay $0x1  }
0xa1: {  	s23 =	simm.s32 $0x1B8B  }
0xa2: {  	_ =	swait.ge [sflag:s23], $0x1  }
0xa3: {  	[sflag:s23] =	ssyncset.done $0x0  }
0xa4: {  	s25 =	simm.s32 $0x1B8E;
	s24 =	sld [smem:$0x3FFE];
	[sflag:s23] =	ssyncadd.s32 $0xFFFFFFFF  }
0xa5: {  	s26 =	simm.s32 $execute0_lowered;
	[smem:$0x3FD2] =	sst s25  }
0xa6: {  	s5 =	sshll.u32 s26, $0x1;
	_ =	strace $0x80000046;
	[dreg:$0x1] =	wrdreg $0xFFFFFFFF  }
0xa7: {  	s28 =	simm.s32 $_size_execute0_lowered;
	s3 =	sadd.s32 s3, s5;
	[dreg:$0x0] =	wrdreg $0x0  }
0xa8: {  	s5 =	sshll.u32 s28, $0x1;
	[dreg:$0x2] =	wrdreg s3  }
0xa9: {  	[dreg:$0x3] =	wrdreg s5  }
0xaa: {  	[dreg:$0x4] =	wrdreg $0xC0  }
0xab: {  	_ =	task [dreg:s7], $0x5FFFF  }
0xac: {  	[dreg:$0x1] =	wrdreg $0xFFFFFFFF  }
0xad: {  	[dreg:$0x0] =	wrdreg $0x60  }
0xae: {  	[dreg:$0x2] =	wrdreg s2  }
0xaf: {  	[dreg:$0x3] =	wrdreg s24  }
0xb0: {  	[dreg:$0x4] =	wrdreg $0x9  }
0xb1: {  	_ =	task.clear_ibuf [dreg:s7], $0x5FFFF;
	_ =	strace $0x90000046  }
0xb2: {  	s29 =	simm.s32 $0x9;
	_ =	strace $0x80000048  }
0xb3: {  	_ =	swait.ge [sflag:s29], $0x1  }
0xb4: {  	[sflag:s29] =	ssyncadd.s32 $0xFFFFFFFF  }
0xb5: {  	_ =	strace $0x90000048  }
0xb6: {  	_ =	sfence  }
0xb7: {  	s30 =	sld [smem:$0x0];
	_ =	sdelay $0x2  }
0xb8: {  	s31 =	sshll.u32 s1, $0xD;
	s1 =	sshrl.u32 s1, $0x2  }
0xb9: {  	s3 =	sand.u32 $0x4000, s31;
	s1 =	sadd.s32 s1, s30  }
0xba: {  	s0 =	sor.u32 s3, s0;
	s1 =	sshll.u32 s1, $0x11  }
0xbb: {  	s0 =	sor.u32 s1, s0  }
0xbc: {  	s0 =	sadd.s32 $0x8F2B, s0  }
0xbd: {  	[sflag:s0] =	ssyncadd.remote.s32 $0x1  }
0xbe: {  	_ =	sfence.sel $0xFFFF  }
0xbf: {  	[dreg:$0x0] =	wrdreg $0xFFFFFFFF;
	(pc) =	sbr.abs _section_cstart, $3  }
0xc0: {  	[dreg:$0x1] =	wrdreg $0xFFFFFFFF  }
0xc1: {  	_ =	task.clear_ibuf [dreg:s7], $0x2FFFF;
	_ =	strace $0x9FFFFFFF  }
0xc2: {  	(tm) =	ssettm $0x7FFFFFFF  }
0xc3: {  	_ =	shalt  }
tec
execute0_lowered:
.L_overlay_start_1:
0x0: {  	(tag) =	ssettag $0x1  }
0x1: {  	s0 =	srdreg.scid;
	s1 =	rddreg [dreg:$0x0]  }
0x2: {  	s6 =	stileid.u32;
	s4 =	rddreg [dreg:$0x1]  }
0x3: {  	s3 =	simm.s32 $0x0;
	s16 =	simm.s32 $0x80;
	s28 =	simm.s32 $0x10400  }
0x4: {  	s29 =	simm.s32 $0x3;
	s30 =	simm.s32 $0x12400;
	s31 =	simm.s32 $0x4  }
0x5: {  	s15 =	simm.s32 $0xC;
	s0 =	sand.u32 $0x1, s0;
	s2 =	sshll.u32 s6, $0x1  }
0x6: {  	[smem:$0x7FF] =	sst s3;
	s5 =	smul.u32 $0x640000, s6;
	s3 =	sadd.s32 $0x800, s4  }
0x7: {  	s6 =	smul.u32 $0xC800, s6;
	s4 =	sadd.s32 $0x7A1A00, s4;
	s2 =	sor.u32 s0, s2  }
0x8: {  	_ =	strace $0x80000047;
	s19 =	ssub.s32 $0x2, s0;
	s7 =	smul.u32 $0x6400, s0  }
0x9: {  	[dreg:$0x3] =	wrdreg s4;
	s0 =	smul.u32 $0x320000, s0;
	s8 =	sshrl.u32 s19, $0x1  }
0xa: {  	s2 =	smul.u32 $0x6400, s2;
	s4 =	ssub.s32 s19, s8;
	s20 =	sadd.s32 s7, s6  }
0xb: {  	s0 =	sadd.s32 s0, s5;
	s19 =	simm.s32 $0x6;
	s6 =	simm.s32 $0x0  }
0xc: {  	s2 =	sshrl.u32 s2, $0x3;
	s21 =	smax.u32 s4, $0x1;
	s22 =	sshrl.u32 s0, $0x3  }
0xd: {  	s24 =	sor.u32 $0x1C000, s0;
	s25 =	sor.u32 $0x18000, s0;
	s26 =	sor.u32 $0x14000, s0  }
0xe: {  	s0 =	sor.u32 $0x10000, s0;
	s1 =	sadd.s32 s1, s2;
	[dreg:$0x5] =	wrdreg s21  }
0xf: {  	[dreg:$0x6] =	wrdreg s22;
	s11 =	sshrl.u32 s24, $0x3;
	s12 =	sshrl.u32 s25, $0x3  }
0x10: {  	s13 =	sshrl.u32 s26, $0x3;
	s14 =	sshrl.u32 s0, $0x3;
	s22 =	simm.s32 $0xC400  }
.Ltmp0:
0x11: {  	s24 =	simm.s32 $0x40;
	s25 =	simm.s32 $0xE400;
	(pc) =	sbr.rel .LBB2_1-.Ltmp0, $4  }
0x12: {  	s26 =	simm.s32 $0x2;
	s0 =	simm.s32 $0x5;
	s21 =	simm.s32 $0x7  }
0x13: {  	s2 =	simm.s32 $0x8;
	[dreg:$0x4] =	wrdreg s1;
	s1 =	sshll.u32 s20, $0x4  }
0x14: {  	s23 =	sor.u32 $0x1800, s1;
	s9 =	sor.u32 $0x1000, s1;
	s10 =	sor.u32 $0x800, s1  }
0x15: {  	s1 =	simm.s32 $0x14400;
	[dreg:$0x7] =	wrdreg s23;
	s23 =	simm.s32 $0x1  }
.LBB2_4:
0x16: {  	s4 =	simm.s32 $0x9  }
0x17: {  	_ =	swait.ge [sflag:s4], $0x2000  }
0x18: {  	[sflag:s4] =	ssyncset.done $0x0  }
0x19: {  	s6 =	simm.s32 $0xA;
	[sflag:s4] =	ssyncadd.s32 $0xFFFFE000  }
0x1a: {  	_ =	swait.ge [sflag:s6], $0x2000  }
0x1b: {  	[sflag:s6] =	ssyncset.done $0x0  }
0x1c: {  	s7 =	simm.s32 $0xB;
	[sflag:s6] =	ssyncadd.s32 $0xFFFFE000  }
0x1d: {  	_ =	swait.ge [sflag:s7], $0x2000  }
0x1e: {  	[sflag:s7] =	ssyncset.done $0x0  }
0x1f: {  	[sflag:s7] =	ssyncadd.s32 $0xFFFFE000  }
0x20: {  	_ =	swait.ge [sflag:s15], $0x2000  }
0x21: {  	[sflag:s15] =	ssyncset.done $0x0  }
0x22: {  	s8 =	simm.s32 $0xD;
	[sflag:s15] =	ssyncadd.s32 $0xFFFFE000  }
0x23: {  	_ =	swait.ge [sflag:s8], $0x2000  }
0x24: {  	[sflag:s8] =	ssyncset.done $0x0  }
0x25: {  	s17 =	simm.s32 $0xE;
	[sflag:s8] =	ssyncadd.s32 $0xFFFFE000  }
0x26: {  	_ =	swait.ge [sflag:s17], $0x2000  }
0x27: {  	[sflag:s17] =	ssyncset.done $0x0  }
0x28: {  	s18 =	simm.s32 $0xF;
	[sflag:s17] =	ssyncadd.s32 $0xFFFFE000  }
0x29: {  	_ =	swait.ge [sflag:s18], $0x2000  }
0x2a: {  	[sflag:s18] =	ssyncset.done $0x0  }
0x2b: {  	s5 =	simm.s32 $0x10;
	[sflag:s18] =	ssyncadd.s32 $0xFFFFE000  }
0x2c: {  	_ =	swait.ge [sflag:s5], $0x2000  }
0x2d: {  	s6 =	rddreg [dreg:$0x8]  }
0x2e: {  	s20 =	rddreg [dreg:$0x5];
	s6 =	sadd.s32 $0x1, s6  }
0x2f: {  	p0 =	sne.s32 s6, s20  }
.Ltmp1:
0x30: {  	_ = 	snop;
	(pc) =	sbr.rel @!p0 .LBB2_5-.Ltmp1, $3  }
0x31: {  	_ =	sdelay $0x1  }
0x32: {  	[sflag:s5] =	ssyncset.done $0x0  }
0x33: {  	[sflag:s5] =	ssyncadd.s32 $0xFFFFE000  }
.LBB2_1:
0x34: {  	[dreg:$0x8] =	wrdreg s6  }
0x35: {  	s4 =	simm.s32 $0x0;
	s5 =	rddreg [dreg:$0x4];
	s6 =	simm.s32 $0x11  }
0x36: {  	[tilespmem:s4], [sflag:$0x11] =	stream.linear.gather [hbm4b:s5+s4], $0x6400, $0x38;
	[tilespmem:$0x16400] =	vst v63  }
0x37: {  	_ =	swait.ge [sflag:s6], $0x6400  }
0x38: {  	[sflag:s6] =	ssyncset.done $0x0  }
0x39: {  	s7 =	simm.s32 $0x6400;
	[sflag:s6] =	ssyncadd.s32 $0xFFFF9C00  }
0x3a: {  	[tilespmem:s7], [sflag:$0x1] =	stream.indirect.gather [hbm4b:s3+s16], $0x40, s4, s16, $0xb8;
	[tilespmem:$0x16400] =	vst v63  }
0x3b: {  	s8 =	simm.s32 $0x8400  }
0x3c: {  	[tilespmem:s8], [sflag:$0x2] =	stream.indirect.gather [hbm4b:s3+s16], $0x40, s16, s16, $0xb8;
	[tilespmem:$0x16400] =	vst v63  }
0x3d: {  	s17 =	simm.s32 $0x100;
	s18 =	simm.s32 $0xA400;
	s20 =	simm.s32 $0x180  }
0x3e: {  	[tilespmem:s18], [sflag:$0x3] =	stream.indirect.gather [hbm4b:s3+s16], $0x40, s17, s16, $0xb8;
	[tilespmem:$0x16400] =	vst v63  }
0x3f: {  	s5 =	simm.s32 $0x0;
	s6 =	simm.s32 $0xFFFFFFF8;
	s4 =	rddreg [dreg:$0x3]  }
0x40: {  	[tilespmem:s22], [sflag:$0x4] =	stream.indirect.gather [hbm4b:s3+s16], $0x40, s20, s16, $0xb8;
	[tilespmem:$0x16400] =	vst v63  }
.LBB2_2:
0x41: {  	_ =	swait.ge [sflag:s23], $0x2000;
	s20 =	simm.s32 $0x6400  }
0x42: {  	p0 =	sgt.u32 s6, $0xBF;
	[sflag:s23] =	ssyncset.done $0x0;
	s7 =	rddreg [dreg:$0x6]  }
0x43: {  	s18 =	simm.s32 @!p0 $0xD;
	[sflag:s23] =	ssyncadd.s32 $0xFFFFE000;
	s17 =	sadd.s32 s4, s7  }
0x44: {  	[hbm4b:s17+s24] =	stream.strided.scatter [tilespmem:s20], [sflag:$0x9], $0x2000, s16, s24, $0x38;
	[tilespmem:$0x16400] =	vst v63  }
0x45: {  	_ =	swait.ge @!p0 [sflag:s18], $0x2000  }
0x46: {  	s17 =	sshra.s32 s5, $0x2;
	[sflag:s18] =	ssyncset.done @!p0 $0x0  }
0x47: {  	s7 =	sadd.s32 $0x200, s17;
	[sflag:s18] =	ssyncadd.s32 @!p0 $0xFFFFE000  }
0x48: {  	[tilespmem:s25], [sflag:$0x5] =	stream.indirect.gather [hbm4b:s3+s16], $0x40, s7, s16, $0xb8;
	[tilespmem:$0x16400] =	vst v63  }
0x49: {  	_ =	swait.ge [sflag:s26], $0x2000  }
0x4a: {  	s8 =	sadd.s32 s4, s10;
	[sflag:s26] =	ssyncset.done $0x0  }
0x4b: {  	s20 =	simm.s32 $0x8400;
	s18 =	simm.s32 @!p0 $0xE;
	[sflag:s26] =	ssyncadd.s32 $0xFFFFE000  }
0x4c: {  	[hbm4b:s8+s24] =	stream.strided.scatter [tilespmem:s20], [sflag:$0xA], $0x2000, s16, s24, $0x38;
	[tilespmem:$0x16400] =	vst v63  }
0x4d: {  	_ =	swait.ge @!p0 [sflag:s18], $0x2000  }
0x4e: {  	[sflag:s18] =	ssyncset.done @!p0 $0x0  }
0x4f: {  	s7 =	sadd.s32 $0x280, s17;
	[sflag:s18] =	ssyncadd.s32 @!p0 $0xFFFFE000  }
0x50: {  	[tilespmem:s28], [sflag:$0x6] =	stream.indirect.gather [hbm4b:s3+s16], $0x40, s7, s16, $0xb8;
	[tilespmem:$0x16400] =	vst v63  }
0x51: {  	_ =	swait.ge [sflag:s29], $0x2000  }
0x52: {  	s8 =	sadd.s32 s4, s9;
	[sflag:s29] =	ssyncset.done $0x0  }
0x53: {  	s20 =	simm.s32 $0xA400;
	s18 =	simm.s32 @!p0 $0xF;
	[sflag:s29] =	ssyncadd.s32 $0xFFFFE000  }
0x54: {  	[hbm4b:s8+s24] =	stream.strided.scatter [tilespmem:s20], [sflag:$0xB], $0x2000, s16, s24, $0x38;
	[tilespmem:$0x16400] =	vst v63  }
0x55: {  	_ =	swait.ge @!p0 [sflag:s18], $0x2000  }
0x56: {  	[sflag:s18] =	ssyncset.done @!p0 $0x0  }
0x57: {  	s8 =	sadd.s32 $0x300, s17;
	[sflag:s18] =	ssyncadd.s32 @!p0 $0xFFFFE000  }
0x58: {  	[tilespmem:s30], [sflag:$0x7] =	stream.indirect.gather [hbm4b:s3+s16], $0x40, s8, s16, $0xb8;
	[tilespmem:$0x16400] =	vst v63  }
0x59: {  	_ =	swait.ge [sflag:s31], $0x2000  }
0x5a: {  	p0 =	seq.s32 s5, $0x0;
	[sflag:s31] =	ssyncset.done $0x0;
	s18 =	rddreg [dreg:$0x7]  }
0x5b: {  	[sflag:s31] =	ssyncadd.s32 $0xFFFFE000;
	s20 =	sadd.s32 s4, s18;
	s18 =	simm.s32 @!p0 $0x10  }
0x5c: {  	[hbm4b:s20+s24] =	stream.strided.scatter [tilespmem:s22], [sflag:$0xC], $0x2000, s16, s24, $0x38;
	[tilespmem:$0x16400] =	vst v63  }
0x5d: {  	_ =	swait.ge @!p0 [sflag:s18], $0x2000  }
0x5e: {  	[sflag:s18] =	ssyncset.done @!p0 $0x0  }
0x5f: {  	s7 =	sadd.s32 $0x380, s17;
	[sflag:s18] =	ssyncadd.s32 @!p0 $0xFFFFE000  }
0x60: {  	[tilespmem:s1], [sflag:$0x8] =	stream.indirect.gather [hbm4b:s3+s16], $0x40, s7, s16, $0xb8;
	[tilespmem:$0x16400] =	vst v63  }
0x61: {  	_ =	swait.ge [sflag:s0], $0x2000  }
0x62: {  	p0 =	seq.s32 s5, $0x18000;
	[sflag:s0] =	ssyncset.done $0x0  }
0x63: {  	s8 =	sadd.s32 s4, s14;
	s18 =	simm.s32 @!p0 $0x9;
	[sflag:s0] =	ssyncadd.s32 $0xFFFFE000  }
0x64: {  	[hbm4b:s8+s24] =	stream.strided.scatter [tilespmem:s25], [sflag:$0xD], $0x2000, s16, s24, $0x38;
	[tilespmem:$0x16400] =	vst v63  }
0x65: {  	_ =	swait.ge @!p0 [sflag:s18], $0x2000  }
0x66: {  	[sflag:s18] =	ssyncset.done @!p0 $0x0  }
0x67: {  	[sflag:s18] =	ssyncadd.s32 @!p0 $0xFFFFE000;
	s18 =	sshra.s32 @!p0 s5, $0x2  }
0x68: {  	s7 =	simm.s32 @!p0 $0x80;
	s8 =	simm.s32 @!p0 $0x6400;
	s20 =	sadd.s32 @!p0 $0x400, s18  }
0x69: {  	[tilespmem:s8], [sflag:$0x1] =	stream.indirect.gather @!p0 [hbm4b:s3+s7], $0x40, s20, s7, $0xb8;
	[tilespmem:$0x16400] =	vst v63  }
0x6a: {  	_ =	swait.ge [sflag:s19], $0x2000  }
0x6b: {  	[sflag:s19] =	ssyncset.done $0x0  }
0x6c: {  	s20 =	sadd.s32 s4, s13;
	s8 =	simm.s32 @!p0 $0xA;
	[sflag:s19] =	ssyncadd.s32 $0xFFFFE000  }
0x6d: {  	[hbm4b:s20+s24] =	stream.strided.scatter [tilespmem:s28], [sflag:$0xE], $0x2000, s16, s24, $0x38;
	[tilespmem:$0x16400] =	vst v63  }
0x6e: {  	_ =	swait.ge @!p0 [sflag:s8], $0x2000  }
0x6f: {  	[sflag:s8] =	ssyncset.done @!p0 $0x0  }
0x70: {  	s20 =	simm.s32 @!p0 $0x8400;
	[sflag:s8] =	ssyncadd.s32 @!p0 $0xFFFFE000;
	s8 =	sadd.s32 @!p0 $0x480, s18  }
0x71: {  	[tilespmem:s20], [sflag:$0x2] =	stream.indirect.gather @!p0 [hbm4b:s3+s7], $0x40, s8, s7, $0xb8;
	[tilespmem:$0x16400] =	vst v63  }
0x72: {  	_ =	swait.ge [sflag:s21], $0x2000  }
0x73: {  	[sflag:s21] =	ssyncset.done $0x0  }
0x74: {  	s20 =	sadd.s32 s4, s12;
	s8 =	simm.s32 @!p0 $0xB;
	[sflag:s21] =	ssyncadd.s32 $0xFFFFE000  }
0x75: {  	[hbm4b:s20+s24] =	stream.strided.scatter [tilespmem:s30], [sflag:$0xF], $0x2000, s16, s24, $0x38;
	[tilespmem:$0x16400] =	vst v63  }
0x76: {  	_ =	swait.ge @!p0 [sflag:s8], $0x2000  }
0x77: {  	[sflag:s8] =	ssyncset.done @!p0 $0x0  }
0x78: {  	[sflag:s8] =	ssyncadd.s32 @!p0 $0xFFFFE000;
	s8 =	sadd.s32 @!p0 $0x500, s18;
	s18 =	simm.s32 @!p0 $0xA400  }
0x79: {  	[tilespmem:s18], [sflag:$0x3] =	stream.indirect.gather @!p0 [hbm4b:s3+s7], $0x40, s8, s7, $0xb8;
	[tilespmem:$0x16400] =	vst v63  }
.Ltmp2:
0x7a: {  	_ = 	snop;
	(pc) =	sbr.rel @p0 .LBB2_4-.Ltmp2, $4  }
0x7b: {  	_ =	swait.ge [sflag:s2], $0x2000  }
0x7c: {  	[sflag:s2] =	ssyncset.done $0x0  }
0x7d: {  	s20 =	sadd.s32 s4, s11;
	[sflag:s2] =	ssyncadd.s32 $0xFFFFE000  }
0x7e: {  	[hbm4b:s20+s24] =	stream.strided.scatter [tilespmem:s1], [sflag:$0x10], $0x2000, s16, s24, $0x38;
	[tilespmem:$0x16400] =	vst v63  }
.Ltmp3:
0x7f: {  	(pc) =	sbr.rel .LBB2_2-.Ltmp3, $4  }
0x80: {  	_ =	swait.ge [sflag:s15], $0x2000  }
0x81: {  	s7 =	sadd.s32 $0x580, s17;
	s5 =	sadd.s32 $0x1000, s5;
	[sflag:s15] =	ssyncset.done $0x0  }
0x82: {  	s4 =	sadd.s32 $0x4000, s4;
	s6 =	sadd.s32 $0x8, s6;
	[sflag:s15] =	ssyncadd.s32 $0xFFFFE000  }
0x83: {  	[tilespmem:s22], [sflag:$0x4] =	stream.indirect.gather [hbm4b:s3+s16], $0x40, s7, s16, $0xb8;
	[tilespmem:$0x16400] =	vst v63  }
.LBB2_5:
0x84: {  	_ =	sfence.sel $0x180000  }
0x85: {  	[bflag:$0x0] =	sbarrier.arrive $0xFFFF  }
0x86: {  	_ =	strace $0x90000047  }
0x87: {  	s0 =	stileid.u32;
	[bflag:$0x2] =	sbarrier.arrive $0xFFFF  }
0x88: {  	p0 =	sne.s32 s0, $0x0;
	s0 =	rddreg [dreg:$0x2]  }
0x89: {  	s0 =	sadd.s32 @!p0 $0x100000, s0  }
0x8a: {  	[sflag:s0] =	ssyncadd.tile.s32 @!p0 $0x1;
	_ =	shalt  }
.Lfunc_end2:
_tile_overlayer_lowered:
.L_overlay_start_2:
0x8b: {  	(tag) =	ssettag $0x2  }
0x8c: {  	s0 =	rddreg [dreg:$0x0];
	s2 =	stileid.u32  }
0x8d: {  	s1 =	rddreg [dreg:$0x1];
	p0 =	sne.s32 s2, $0x0  }
0x8e: {  	s3 =	rddreg [dreg:$0x2];
	[bflag:$0x3] =	sbarrier.arrive $0xFFFF;
	s2 =	simm.s32 @!p0 $0x1C11  }
0x8f: {  	[timem:s3], [sflag:s2] =	dma.local @!p0 [hbm:s0], s1  }
0x90: {  	s0 =	simm.s32 @!p0 $0x11  }
0x91: {  	_ =	swait.ge @!p0 [sflag:s0], s1  }
0x92: {  	s1 =	ssub.s32 @!p0 $0x0, s1;
	[sflag:s0] =	ssyncset.done @!p0 $0x0  }
0x93: {  	[sflag:s0] =	ssyncadd.s32 @!p0 s1  }
0x94: {  	[bflag:$0x3] =	sbarrier.arrive $0xFFFF  }
0x95: {  	_ =	shalt  }

// kernel: sparse-core-data-format-call.cloned.1.call-start
scs
called_computation_lowered:
.L_overlay_start_0:
0x0: {  	s2 =	sld [smem:$0x3FD9]  }
0x1: {  	s3 =	sld [smem:$0x3FFE];
	_ =	sdelay $0x1  }
0x2: {  	s1 =	srdreg.scid  }
0x3: {  	s0 =	sand.u32 $0x1, s1  }
0x4: {  	s18 =	sshll.u32 s0, $0xA;
	s2 =	sadd.s32 s3, s2  }
0x5: {  	s2 =	sadd.s32 s2, s18  }
0x6: {  	[smem:$0x3FC6] =	sst s2  }
0x7: {  	_ = 	snop  }
0x8: {  	s2 =	sld [smem:$0x3FD0];
	(tm) =	ssettm $0x1  }
0x9: {  	s19 =	sld [smem:$0x3FFB];
	_ =	sdelay $0x3  }
0xa: {  	_ =	strace s19  }
0xb: {  	s3 =	sld [smem:$0x3FFC];
	_ =	sdelay $0x3  }
0xc: {  	_ =	strace s3  }
0xd: {  	s3 =	sld [smem:$0x3FFD];
	_ =	sdelay $0x3  }
0xe: {  	_ =	strace s3  }
0xf: {  	_ =	strace $0x8FFFFFFF  }
0x10: {  	s20 =	sld [smem:$0x3FDB];
	_ =	sdelay $0x1  }
0x11: {  	s4 =	simm.s32 $_scs_section_size  }
0x12: {  	s5 =	simm.s32 $_size__tile_overlayer_lowered;
	s6 =	simm.s32 $_tile_overlayer_lowered  }
0x13: {  	s23 =	simm.s32 $0x1BFF;
	s22 =	sshll.u32 s6, $0x1;
	s3 =	sadd.s32 s4, s20  }
0x14: {  	s7 =	simm.s32 $0x0;
	s21 =	sshll.u32 s5, $0x1;
	s5 =	sadd.s32 s22, s3  }
0x15: {  	[timem:s7], [sflag:s23] =	dma.local [hbm:s5], s21  }
0x16: {  	_ =	swait.ge [sflag:s23], s21  }
0x17: {  	s4 =	ssub.s32 $0x0, s21;
	[sflag:s23] =	ssyncset.done $0x0  }
0x18: {  	[sflag:s23] =	ssyncadd.s32 s4;
	_ =	sdelay $0x1  }
0x19: {  	s24 =	simm.s32 $0x1B8B  }
0x1a: {  	_ =	swait.ge [sflag:s24], $0x1  }
0x1b: {  	[sflag:s24] =	ssyncset.done $0x0  }
0x1c: {  	s26 =	simm.s32 $0x1B8E;
	s25 =	sld [smem:$0x3FFE];
	[sflag:s24] =	ssyncadd.s32 $0xFFFFFFFF  }
0x1d: {  	s27 =	simm.s32 $execute0_lowered;
	[smem:$0x3FD2] =	sst s26  }
0x1e: {  	s5 =	sshll.u32 s27, $0x1;
	_ =	strace $0x80000049;
	[dreg:$0x1] =	wrdreg $0xFFFFFFFF  }
0x1f: {  	s28 =	simm.s32 $_size_execute0_lowered;
	s3 =	sadd.s32 s3, s5;
	[dreg:$0x0] =	wrdreg $0x0  }
0x20: {  	s5 =	sshll.u32 s28, $0x1;
	[dreg:$0x2] =	wrdreg s3  }
0x21: {  	[dreg:$0x3] =	wrdreg s5  }
0x22: {  	[dreg:$0x4] =	wrdreg $0xC0  }
0x23: {  	_ =	task [dreg:s7], $0x5FFFF  }
0x24: {  	[dreg:$0x1] =	wrdreg $0xFFFFFFFF  }
0x25: {  	[dreg:$0x0] =	wrdreg $0x60  }
0x26: {  	[dreg:$0x2] =	wrdreg s25  }
0x27: {  	[dreg:$0x3] =	wrdreg s2  }
0x28: {  	[dreg:$0x4] =	wrdreg $0x9  }
0x29: {  	_ =	task.clear_ibuf [dreg:s7], $0x5FFFF;
	_ =	strace $0x90000049  }
0x2a: {  	s29 =	simm.s32 $0x9;
	_ =	strace $0x8000004B  }
0x2b: {  	_ =	swait.ge [sflag:s29], $0x1  }
0x2c: {  	[sflag:s29] =	ssyncadd.s32 $0xFFFFFFFF  }
0x2d: {  	_ =	strace $0x9000004B  }
0x2e: {  	_ =	sfence  }
0x2f: {  	s30 =	sld [smem:$0x0];
	_ =	sdelay $0x2  }
0x30: {  	s31 =	sshll.u32 s1, $0xD;
	s1 =	sshrl.u32 s1, $0x2  }
0x31: {  	s3 =	sand.u32 $0x4000, s31;
	s1 =	sadd.s32 s1, s30  }
0x32: {  	s0 =	sor.u32 s3, s0;
	s1 =	sshll.u32 s1, $0x11  }
0x33: {  	s0 =	sor.u32 s1, s0  }
0x34: {  	s0 =	sadd.s32 $0x8F2B, s0  }
0x35: {  	[sflag:s0] =	ssyncadd.remote.s32 $0x1  }
0x36: {  	_ =	sfence.sel $0xFFFF  }
0x37: {  	[dreg:$0x0] =	wrdreg $0xFFFFFFFF;
	(pc) =	sbr.abs _section_cstart, $3  }
0x38: {  	[dreg:$0x1] =	wrdreg $0xFFFFFFFF  }
0x39: {  	_ =	task.clear_ibuf [dreg:s7], $0x2FFFF;
	_ =	strace $0x9FFFFFFF  }
0x3a: {  	(tm) =	ssettm $0x7FFFFFFF  }
0x3b: {  	_ =	shalt  }
tec
execute0_lowered:
.L_overlay_start_1:
0x0: {  	(tag) =	ssettag $0x1  }
0x1: {  	s0 =	srdreg.scid  }
0x2: {  	s1 =	sshll.u32 s0, $0x4  }
0x3: {  	s0 =	stileid.u32;
	s1 =	sand.u32 $0x10, s1  }
0x4: {  	s1 =	sor.u32 s0, s1  }
0x5: {  	s6 =	rddreg [dreg:$0x0];
	s4 =	simm.s32 $0x1;
	s2 =	sshll.u32 s1, $0x7  }
0x6: {  	s7 =	simm.s32 $0x2;
	s12 =	simm.s32 $0x0;
	s1 =	ssub.s32 $0x1000, s2  }
0x7: {  	s8 =	simm.s32 $0x8000;
	s13 =	simm.s32 $0x0;
	s3 =	sand.u32 $0xF80, s1  }
0x8: {  	s9 =	simm.s32 $0x0;
	s5 =	sshrl.u32 s1, $0xC;
	p0 =	sne.s32 s3, $0x0  }
.Ltmp0:
0x9: {  	s1 =	rddreg [dreg:$0x2];
	s4 =	simm.s32 @!p0 $0x0;
	(pc) =	sbr.rel .LBB1_1-.Ltmp0, $4  }
0xa: {  	s11 =	simm.s32 $0x0;
	s3 =	rddreg [dreg:$0x1];
	s5 =	sadd.s32 s4, s5  }
0xb: {  	_ =	strace $0x8000004A;
	s4 =	simm.s32 $0x1;
	s5 =	smul.u32 $0xC8, s5  }
0xc: {  	s6 =	sadd.s32 $0x7A1A00, s6;
	s10 =	smov.u32 s2;
	[sflag:s4] =	ssyncpa.u1 $0x0  }
0xd: {  	p0 =	por $0x0, $0x0;
	[sflag:s7] =	ssyncpa.u1 $0x0;
	s7 =	sor.u32 $0x1, s5  }
.LBB1_4:
0xe: {  	s16 =	sshll.u32 s13, $0x3;
	s17 =	sand.u32 $0x78, s13  }
0xf: {  	s30 =	sand.u32 $0x7E00, s13;
	s12 =	sshll.u32 s12, $0xF;
	s16 =	sand.u32 $0xC00, s16  }
0x10: {  	[tilespmem:s15+$0x810 ss:$0x81] =	vst.msk $0xffff, v2;
	s31 =	sand.u32 $0x7, s13;
	s16 =	sor.u32 s17, s16;
	s17 =	sadd.s32 s3, s30  }
0x11: {  	[tilespmem:s15+$0x1020 ss:$0x81] =	vst.msk $0xffff, v0;
	s13 =	sshll.u32 s31, $0x12;
	s12 =	sadd.s32 s12, s17;
	s16 =	sshrl.u32 s16, $0x3  }
0x12: {  	[tilespmem:s15+$0x0 ss:$0x81] =	vst.msk $0xffff, v1;
	s13 =	sor.u32 $0x400, s13;
	s12 =	sadd.s32 s16, s12  }
0x13: {  	[hbm4b:s12+s13] =	stream.strided.scatter [tilespmem:s14], [sflag:$0x2], $0x2000, s8, s13, $0x20;
	[tilespmem:$0x8080] =	vst v63  }
.LBB1_5:
0x14: {  	s14 =	sadd.s32 $0x1, s9  }
0x15: {  	s12 =	sadd.s32 $0x1000, s10;
	s16 =	smov.u32 s10;
	p2 =	sgt.s32 s14, $0xC7  }
0x16: {  	s16 =	smov.u32 @p2 s12  }
0x17: {  	s14 =	simm.s32 @p2 $0x0;
	p2 =	sgt.s32 s16, $0xFFF  }
0x18: {  	s16 =	smov.u32 @p2 s2;
	p2 =	sne.s32 s11, s7  }
.Ltmp1:
0x19: {  	p1 =	slt.u32 s11, $0x2;
	(pc) =	sbr.rel @!p2 .LBB1_6-.Ltmp1, $4  }
0x1a: {  	s15 =	simm.s32 @!p1 $0x2  }
0x1b: {  	s13 =	smov.u32 s10;
	p0 =	por !p0, !p0;
	_ =	swait.ge @!p1 [sflag:s15], $0x2000  }
0x1c: {  	s12 =	smov.u32 s9;
	[sflag:s15] =	ssyncset.done @!p1 $0x0;
	s9 =	smov.u32 s14  }
0x1d: {  	s11 =	sadd.s32 $0x1, s11;
	[sflag:s15] =	ssyncadd.s32 @!p1 $0xFFFFE000;
	s10 =	smov.u32 s16  }
.LBB1_1:
0x1e: {  	p1 =	sge.u32 s11, s5  }
0x1f: {  	s14 =	sand.u32 @!p1 $0x1FFFFFF, s9  }
0x20: {  	s15 =	smulhi.u32 @!p1 $0x147AE15, s14;
	_ =	sdelay $0x1  }
0x21: {  	s15 =	smul.u32 @!p1 $0xC8, s15  }
0x22: {  	s16 =	sxor.u32 @!p1 $0xFFFFFFFF, s11;
	s17 =	smul.u32 @!p1 $0xC80, s10  }
0x23: {  	s31 =	sadd.s32 $0xFFFFFFFF, s11;
	s16 =	sshll.u32 @!p1 s16, $0xD;
	s14 =	ssub.s32 @!p1 s14, s15  }
0x24: {  	s15 =	sand.u32 @!p1 $0x2000, s16;
	s16 =	sadd.s32 @!p1 s6, s17;
	s14 =	sshll.u32 @!p1 s14, $0x4  }
0x25: {  	s17 =	simm.s32 @!p1 $0x6400;
	s14 =	sadd.s32 @!p1 s14, s16;
	s16 =	simm.s32 @!p1 $0x40  }
0x26: {  	[tilespmem:s15], [sflag:$0x1] =	stream.strided.gather @!p1 [hbm4b:s14+s16], $0x2000, s17, s16, $0x38;
	[tilespmem:$0x8080] =	vst v63  }
0x27: {  	p1 =	sge.u32 s31, s5  }
.Ltmp2:
0x28: {  	_ = 	snop;
	(pc) =	sbr.rel @p1 .LBB1_5-.Ltmp2, $1  }
0x29: {  	_ =	sdelay $0x3  }
0x2a: {  	s14 =	simm.s32 $0x1  }
0x2b: {  	_ =	swait.ge [sflag:s4], $0x2000;
	s14 =	simm.s32 @!p0 $0x0  }
0x2c: {  	[sflag:s4] =	ssyncset.done $0x0;
	s15 =	sshll.u32 s14, $0xD  }
0x2d: {  	[sflag:s4] =	ssyncadd.s32 $0xFFFFE000;
	s18 =	sor.u32 $0x20, s15  }
0x2e: {  	s14 =	smul.u32 $0x8100, s14;
	v3 =	vld [tilespmem:s18+$0x10]  }
0x2f: {  	s30 =	sand.u32 $0x1, s11;
	v2 =	vld [tilespmem:s18+$0xFFFFFFF0]  }
0x30: {  	s15 =	smul.u32 $0x8100, s30;
	s14 =	sshrl.u32 s14, $0x2;
	v0 =	vld [tilespmem:s18+$0x0]  }
0x31: {  	v1 =	vld [tilespmem:s18+$0xFFFFFFE0];
	s16 =	sor.u32 $0x4000, s14  }
0x32: {  	s31 =	sshrl.u32 s15, $0x2;
	s15 =	sadd.s32 $0x0, s16  }
0x33: {  	s17 =	simm.s32 $0x4;
	s18 =	sadd.s32 $0x40, s18;
	s14 =	sor.u32 $0x4000, s31;
	[tilespmem:s15+$0x1830 ss:$0x81] =	vst.msk $0xffff, v3  }
.LBB1_3:
0x34: {  	v3 =	vld [tilespmem:s18+$0x10];
	p1 =	sne.s32 s17, $0x1FC;
	[tilespmem:s15+$0x810 ss:$0x81] =	vst.msk $0xffff, v2;
	s19 =	smov.u32 s17;
	s17 =	sadd.s32 $0x4, s17  }
.Ltmp3:
0x35: {  	v2 =	vld [tilespmem:s18+$0xFFFFFFF0];
	[tilespmem:s15+$0x1020 ss:$0x81] =	vst.msk $0xffff, v0;
	(pc) =	sbr.rel @p1 .LBB1_3-.Ltmp3, $4  }
0x36: {  	v0 =	vld [tilespmem:s18+$0x0];
	[tilespmem:s15+$0x0 ss:$0x81] =	vst.msk $0xffff, v1  }
0x37: {  	s15 =	sshra.s32 s19, $0x2;
	v1 =	vld [tilespmem:s18+$0xFFFFFFE0]  }
0x38: {  	s15 =	sadd.s32 s15, s16  }
0x39: {  	s18 =	sadd.s32 $0x40, s18;
	[tilespmem:s15+$0x1830 ss:$0x81] =	vst.msk $0xffff, v3  }
.Ltmp4:
0x3a: {  	_ = 	snop;
	(pc) =	sbr.rel .LBB1_4-.Ltmp4, $1  }
0x3b: {  	_ =	sdelay $0x3  }
.LBB1_6:
0x3c: {  	_ =	sfence.sel $0x180000  }
0x3d: {  	s2 =	simm.s32 $0x1;
	[bflag:$0x0] =	sbarrier.arrive $0xFFFF  }
0x3e: {  	s31 =	simm.s32 $0x2;
	[sflag:s2] =	ssyncpa.u1 $0x1  }
0x3f: {  	[sflag:s31] =	ssyncpa.u1 $0x1  }
0x40: {  	p0 =	sne.s32 s0, $0x0;
	_ =	strace $0x9000004A  }
0x41: {  	s0 =	sadd.s32 @!p0 $0x100000, s1;
	[bflag:$0x2] =	sbarrier.arrive $0xFFFF  }
0x42: {  	[sflag:s0] =	ssyncadd.tile.s32 @!p0 $0x1;
	_ =	shalt  }
.Lfunc_end1:
_tile_overlayer_lowered:
.L_overlay_start_2:
0x43: {  	(tag) =	ssettag $0x2  }
0x44: {  	s0 =	rddreg [dreg:$0x0];
	s2 =	stileid.u32  }
0x45: {  	s1 =	rddreg [dreg:$0x1];
	p0 =	sne.s32 s2, $0x0  }
0x46: {  	s3 =	rddreg [dreg:$0x2];
	[bflag:$0x3] =	sbarrier.arrive $0xFFFF;
	s2 =	simm.s32 @!p0 $0x1C01  }
0x47: {  	[timem:s3], [sflag:s2] =	dma.local @!p0 [hbm:s0], s1  }
0x48: {  	s0 =	simm.s32 @!p0 $0x1  }
0x49: {  	_ =	swait.ge @!p0 [sflag:s0], s1  }
0x4a: {  	s1 =	ssub.s32 @!p0 $0x0, s1;
	[sflag:s0] =	ssyncset.done @!p0 $0x0  }
0x4b: {  	[sflag:s0] =	ssyncadd.s32 @!p0 s1  }
0x4c: {  	[bflag:$0x3] =	sbarrier.arrive $0xFFFF  }
0x4d: {  	_ =	shalt  }

</sc_bundles>
